<compile_context>
chip_gen: v7x
topology: tpu7x:2x2x1
jax: 0.10.2.dev20260603
libtpu: 0.0.44.dev20260713+nightly
codegen_flags: <defaults>
</compile_context>

<pallas_src>
import functools

import jax
import jax.numpy as jnp
from jax import lax
from jax.experimental import pallas as pl
from jax.experimental.pallas import tpu as pltpu
from jax.experimental.pallas import tpu_sc as plsc

N = 10000
E = 320000
D = 128

NC = 2
NS = 16
NW = NC * NS
EPW = E // NW
CH = 100
NCH = EPW // CH
NP = 10112
RPS = NP // NS
CW = 16
L = 16

_SC_PARAMS = pltpu.CompilerParams(use_tc_tiling_on_sc=False,
                                  needs_layout_passes=False)


def _zero_rows(buf, nrows):
  width = buf.shape[1]
  zeros16 = jnp.zeros((L,), jnp.float32)

  def body(i, carry):
    r = i // (width // L)
    c = lax.rem(i, width // L)
    buf[r, pl.ds(c * L, L)] = zeros16
    return carry

  lax.fori_loop(0, nrows * width // L, body, 0)


def _zero_acc_slice(buf, acc, base):
  for j in range(RPS // 96):
    pltpu.sync_copy(buf.at[pl.ds(0, 96)], acc.at[pl.ds(base + 96 * j, 96)])
  rem = RPS % 96
  if rem:
    pltpu.sync_copy(buf.at[pl.ds(0, rem)],
                    acc.at[pl.ds(base + RPS - rem, rem)])


def _sc_feats(x, src, dst):
  mesh = plsc.VectorSubcoreMesh(core_axis_name="c", subcore_axis_name="s")

  @functools.partial(
      pl.kernel,
      out_type=jax.ShapeDtypeStruct((NC, NP, D), jnp.float32),
      mesh=mesh,
      scratch_types=[
          pltpu.VMEM((NCH, CH), jnp.int32),
          pltpu.VMEM((NCH, CH), jnp.int32),
          pltpu.VMEM((CH, D), jnp.float32),
          pltpu.VMEM((CH, D), jnp.float32),
          pltpu.VMEM_SHARED((NP, D), jnp.float32),
          pltpu.SemaphoreType.DMA,
          pltpu.SemaphoreType.DMA,
      ],
      compiler_params=_SC_PARAMS,
  )
  def k(x_hbm, src_hbm, dst_hbm, out_hbm,
        src_v, dst_v, buf0, buf1, acc_sh, sem0, sem1):
    cid = lax.axis_index("c")
    sid = lax.axis_index("s")
    wid = sid * NC + cid

    _zero_rows(buf0, 96)
    _zero_acc_slice(buf0, acc_sh, sid * RPS)
    pltpu.sync_copy(src_hbm.at[wid], src_v)
    pltpu.sync_copy(dst_hbm.at[wid], dst_v)
    plsc.subcore_barrier()

    def gather(c, buf, sem):
      pltpu.async_copy(x_hbm.at[src_v.at[c]], buf, sem)

    def gwait(c, buf, sem):
      pltpu.make_async_copy(x_hbm.at[src_v.at[c]], buf, sem).wait()

    def scatter(c, buf):
      pltpu.sync_copy(buf, acc_sh.at[dst_v.at[c]], add=True)

    gather(0, buf0, sem0)

    def body(t, carry):
      c = 2 * t
      gather(c + 1, buf1, sem1)
      gwait(c, buf0, sem0)
      scatter(c, buf0)
      gather(c + 2, buf0, sem0)
      gwait(c + 1, buf1, sem1)
      scatter(c + 1, buf1)
      return carry

    lax.fori_loop(0, NCH // 2 - 1, body, 0)
    c = NCH - 2
    gather(c + 1, buf1, sem1)
    gwait(c, buf0, sem0)
    scatter(c, buf0)
    gwait(c + 1, buf1, sem1)
    scatter(c + 1, buf1)

    plsc.subcore_barrier()
    pltpu.sync_copy(acc_sh.at[pl.ds(sid * RPS, RPS)],
                    out_hbm.at[cid, pl.ds(sid * RPS, RPS)])

  return k(x, src, dst)


def _sc_counts(dst):
  mesh = plsc.VectorSubcoreMesh(core_axis_name="c", subcore_axis_name="s")

  @functools.partial(
      pl.kernel,
      out_type=jax.ShapeDtypeStruct((NC, NP, CW), jnp.float32),
      mesh=mesh,
      scratch_types=[
          pltpu.VMEM((NCH, CH), jnp.int32),
          pltpu.VMEM((CH, CW), jnp.float32),
          pltpu.VMEM((96, CW), jnp.float32),
          pltpu.VMEM_SHARED((NP, CW), jnp.float32),
          pltpu.SemaphoreType.DMA,
      ],
      compiler_params=_SC_PARAMS,
  )
  def k(dst_hbm, out_hbm, dst_v, ones_v, zbuf, acc_sh, sem):
    cid = lax.axis_index("c")
    sid = lax.axis_index("s")
    wid = sid * NC + cid
    ones16 = jnp.ones((L,), jnp.float32)

    def fill_ones(i, carry):
      ones_v[i, pl.ds(0, L)] = ones16
      return carry
    lax.fori_loop(0, CH, fill_ones, 0)
    _zero_rows(zbuf, 96)
    _zero_acc_slice(zbuf, acc_sh, sid * RPS)
    pltpu.sync_copy(dst_hbm.at[wid], dst_v)
    plsc.subcore_barrier()

    def fire(c, carry):
      pltpu.async_copy(ones_v, acc_sh.at[dst_v.at[c]], sem, add=True)
      return carry

    def drain(c, carry):
      pltpu.make_async_copy(ones_v, acc_sh.at[dst_v.at[c]], sem).wait()
      return carry

    lax.fori_loop(0, NCH, fire, 0)
    lax.fori_loop(0, NCH, drain, 0)

    plsc.subcore_barrier()
    pltpu.sync_copy(acc_sh.at[pl.ds(sid * RPS, RPS)],
                    out_hbm.at[cid, pl.ds(sid * RPS, RPS)])

  return k(dst)


def _tc_dense(acc, cacc, w_t, gamma, beta):

  def body(acc_ref, c_ref, w_ref, g_ref, b_ref, out_ref):
    s = acc_ref[0, :N] + acc_ref[1, :N]
    cnt = c_ref[0, :N, 0:1] + c_ref[1, :N, 0:1]
    mean = s / jnp.maximum(cnt, 1.0)
    h = jnp.dot(mean, w_ref[...], preferred_element_type=jnp.float32)
    h = jnp.where(h > 0, h, jnp.exp(jnp.minimum(h, 0.0)) - 1.0)
    mu = jnp.mean(h, axis=0, keepdims=True)
    xc = h - mu
    var = jnp.mean(xc * xc, axis=0, keepdims=True)
    out_ref[...] = g_ref[...] * (xc * lax.rsqrt(var + 1e-5)) + b_ref[...]

  return pl.pallas_call(
      body,
      out_shape=jax.ShapeDtypeStruct((N, D), jnp.float32),
  )(acc, cacc, w_t, gamma, beta)


def kernel(x, edge_index, W, gamma, beta):
  src = edge_index[0].reshape(NW, NCH, CH)
  dst = edge_index[1].reshape(NW, NCH, CH)
  acc = _sc_feats(x, src, dst)
  cacc = _sc_counts(dst)
  return _tc_dense(acc, cacc, W.T, gamma.reshape(1, D), beta.reshape(1, D))

# --- scband reference (transcript-rebuilt; emitter-appended) ---
"""Pipeline reference for scband-sage-block-45578192945252 (READ-ONLY COPY).

The authoritative reference and input builder live on the scoring server;
editing this copy changes nothing except your own understanding.
"""

import jax, jax.numpy as jnp
import numpy as np

N = 10000
E = 320000
D_IN = 128
D_OUT = 128


def setup_inputs(seed: int = 0) -> dict:
    key = jax.random.key(seed)
    k1, k2, k3 = jax.random.split(key, 3)
    x = jax.random.normal(k1, (N, D_IN), dtype=jnp.float32)
    edge_index = jax.random.randint(k2, (2, E), 0, N, dtype=jnp.int32)
    # SAGEConv lin_l weight (root_weight=False, bias=False): [out_channels, in_channels]
    W = jax.random.normal(k3, (D_OUT, D_IN), dtype=jnp.float32) * (1.0 / np.sqrt(D_IN))
    # BatchNorm affine params (torch defaults: weight=1, bias=0)
    gamma = jnp.ones((D_OUT,), dtype=jnp.float32)
    beta = jnp.zeros((D_OUT,), dtype=jnp.float32)
    return {"x": x, "edge_index": edge_index, "W": W, "gamma": gamma, "beta": beta}


def reference(x, edge_index, W, gamma, beta):
    src = edge_index[0]
    dst = edge_index[1]
    # SAGEConv with mean aggregation: gather source features, scatter-mean to dst
    msgs = jnp.take(x, src, axis=0)
    agg_sum = jax.ops.segment_sum(msgs, dst, num_segments=N)
    cnt = jax.ops.segment_sum(jnp.ones((E,), dtype=x.dtype), dst, num_segments=N)
    agg_mean = agg_sum / jnp.clip(cnt, 1.0, None)[:, None]
    # lin_l (no root weight, no bias)
    h = agg_mean @ W.T
    # elu activation
    h = jax.nn.elu(h)
    # BatchNorm1d in training mode: batch statistics over the node dimension (biased var)
    mu = jnp.mean(h, axis=0)
    var = jnp.mean((h - mu) ** 2, axis=0)
    out = gamma * (h - mu) / jnp.sqrt(var + 1e-5) + beta
    return out

if __name__ == "__main__":
    import jax
    _d = setup_inputs()
    print(jax.jit(kernel)(*tuple(_d.values())))

</pallas_src>

<mosaic_0001>
#map = affine_map<(d0, d1) -> (0, 0)>
#map1 = affine_map<(d0, d1) -> (0, 0, 0)>
module attributes {stable_mosaic.version = 14 : i64} {
  func.func @k(%arg0: i32, %arg1: i32, %arg2: memref<10000x128xf32, #tpu.memory_space<hbm>>, %arg3: memref<32x100x100xi32, #tpu.memory_space<hbm>>, %arg4: memref<32x100x100xi32, #tpu.memory_space<hbm>>, %arg5: memref<2x10112x128xf32, #tpu.memory_space<hbm>>, %arg6: memref<100x100xi32, #tpu.memory_space<vmem>>, %arg7: memref<100x100xi32, #tpu.memory_space<vmem>>, %arg8: memref<100x128xf32, #tpu.memory_space<vmem>>, %arg9: memref<100x128xf32, #tpu.memory_space<vmem>>, %arg10: memref<10112x128xf32, #tpu.memory_space<vmem_shared>>, %arg11: memref<!tpu.dma_semaphore, #tpu.memory_space<semaphore_mem>>, %arg12: memref<!tpu.dma_semaphore, #tpu.memory_space<semaphore_mem>>) attributes {dimension_semantics = [#tpu.dimension_semantics<core_parallel>, #tpu.dimension_semantics<subcore_parallel>], iteration_bounds = array<i64: 2, 16>, scalar_prefetch = 0 : i64, scratch_operands = 7 : i64, tpu.core_type = #tpu.core_type<sc_vector_subcore>, window_params = [{transform_indices = #map}, {transform_indices = #map1}, {transform_indices = #map1}, {transform_indices = #map1}]} {
    %mul3A = arith.constant 2 : i32
    %mul3A_0 = arith.muli %arg1, %mul3A : i32
    %add3A = arith.addi %mul3A_0, %arg0 : i32
    %broadcast_in_dim3A = arith.constant 0.000000e+00 : f32
    %broadcast_in_dim3A_1 = vector.broadcast %broadcast_in_dim3A : f32 to vector<16xf32>
    %scan3A = arith.constant 0 : i32
    %scan3A_2 = arith.constant 0 : i32
    %scan3A_3 = arith.constant 768 : i32
    %scan3A_4 = arith.addi %scan3A_2, %scan3A_3 : i32
    %scan3A_5 = arith.constant 1 : i32
    scf.for %scan3A_62 = %scan3A_2 to %scan3A_4 step %scan3A_5  : i32 {
      %jit3A = arith.constant 8 : i32
      %div3A = arith.divsi %scan3A_62, %jit3A : i32
      %sign3A = arith.constant 0 : i32
      %sign3A_63 = arith.cmpi sgt, %scan3A_62, %sign3A : i32
      %sign3A_64 = arith.extui %sign3A_63 : i1 to i32
      %sign3A_65 = arith.constant 0 : i32
      %sign3A_66 = arith.cmpi slt, %scan3A_62, %sign3A_65 : i32
      %sign3A_67 = arith.extui %sign3A_66 : i1 to i32
      %sign3A_68 = arith.subi %sign3A_64, %sign3A_67 : i32
      %sign3A_69 = arith.constant 0 : i32
      %sign3A_70 = arith.cmpi sgt, %jit3A, %sign3A_69 : i32
      %sign3A_71 = arith.extui %sign3A_70 : i1 to i32
      %sign3A_72 = arith.constant 0 : i32
      %sign3A_73 = arith.cmpi slt, %jit3A, %sign3A_72 : i32
      %sign3A_74 = arith.extui %sign3A_73 : i1 to i32
      %sign3A_75 = arith.subi %sign3A_71, %sign3A_74 : i32
      %ne3A = arith.cmpi ne, %sign3A_68, %sign3A_75 : i32
      %rem3A = arith.remsi %scan3A_62, %jit3A : i32
      %ne3A_76 = arith.constant 0 : i32
      %ne3A_77 = arith.cmpi ne, %rem3A, %ne3A_76 : i32
      %and3A = arith.andi %ne3A, %ne3A_77 : i1
      %sub3A_78 = arith.constant 1 : i32
      %sub3A_79 = arith.subi %div3A, %sub3A_78 : i32
      %select_n3A = arith.select %and3A, %sub3A_79, %div3A : i32
      %rem3A_80 = arith.constant 8 : i32
      %rem3A_81 = arith.remsi %scan3A_62, %rem3A_80 : i32
      %mul3A_82 = arith.constant 16 : i32
      %mul3A_83 = arith.muli %rem3A_81, %mul3A_82 : i32
      %swap3A = arith.index_cast %select_n3A : i32 to index
      %swap3A_84 = arith.index_cast %mul3A_83 : i32 to index
      %swap3A_85 = tpu.vector_load %arg8[%swap3A, %swap3A_84] {strides = array<i32>} : memref<100x128xf32, #tpu.memory_space<vmem>>, vector<16xf32>,
      tpu.vector_store %arg8[%swap3A, %swap3A_84], %broadcast_in_dim3A_1 {strides = array<i32>} : memref<100x128xf32, #tpu.memory_space<vmem>>, vector<16xf32>,
    }
    %scan3A_6 = arith.constant 768 : i32
    %mul3A_7 = arith.constant 632 : i32
    %mul3A_8 = arith.muli %arg1, %mul3A_7 : i32
    %add3A_9 = arith.constant 0 : i32
    %add3A_10 = arith.addi %mul3A_8, %add3A_9 : i32
    "tpu.region"() ({
      %run_scoped3A_62 = tpu.sem_alloc : memref<!tpu.dma_semaphore, #tpu.memory_space<semaphore_mem>>
      %dma_start3A_63 = arith.constant 0 : i32
      %dma_start3A_64 = arith.constant 0 : i32
      %dma_start3A_65 = tpu.memref_slice %arg8[%dma_start3A_63, %dma_start3A_64] : memref<100x128xf32, #tpu.memory_space<vmem>> -> memref<96x128xf32, #tpu.memory_space<vmem>>
      %dma_start3A_66 = arith.constant 0 : i32
      %dma_start3A_67 = tpu.memref_slice %arg10[%add3A_10, %dma_start3A_66] : memref<10112x128xf32, #tpu.memory_space<vmem_shared>> -> memref<96x128xf32, #tpu.memory_space<vmem_shared>>
      %dma_start3A_68 = arith.constant 0 : i32
      %dma_start3A_69 = tpu.memref_slice %arg10[%add3A_10, %dma_start3A_68] : memref<10112x128xf32, #tpu.memory_space<vmem_shared>> -> memref<96x128xf32, #tpu.memory_space<vmem_shared>>
      %dma_start3A_70 = arith.constant 0 : i32
      %dma_start3A_71 = arith.constant 0 : i32
      %dma_start3A_72 = tpu.memref_slice %arg8[%dma_start3A_70, %dma_start3A_71] : memref<100x128xf32, #tpu.memory_space<vmem>> -> memref<96x128xf32, #tpu.memory_space<vmem>>
      tpu.enqueue_dma source(%dma_start3A_72 : memref<96x128xf32, #tpu.memory_space<vmem>>) target(%dma_start3A_69 : memref<96x128xf32, #tpu.memory_space<vmem_shared>>) target_semaphore(%run_scoped3A_62 : memref<!tpu.dma_semaphore, #tpu.memory_space<semaphore_mem>>)
      %dma_wait3A_73 = arith.constant 0 : i32
      %dma_wait3A_74 = arith.constant 0 : i32
      %dma_wait3A_75 = tpu.memref_slice %arg8[%dma_wait3A_73, %dma_wait3A_74] : memref<100x128xf32, #tpu.memory_space<vmem>> -> memref<96x128xf32, #tpu.memory_space<vmem>>
      %dma_wait3A_76 = arith.constant 0 : i32
      %dma_wait3A_77 = tpu.memref_slice %arg10[%add3A_10, %dma_wait3A_76] : memref<10112x128xf32, #tpu.memory_space<vmem_shared>> -> memref<96x128xf32, #tpu.memory_space<vmem_shared>>
      %dma_wait3A_78 = arith.constant 0 : i32
      %dma_wait3A_79 = tpu.memref_slice %arg10[%add3A_10, %dma_wait3A_78] : memref<10112x128xf32, #tpu.memory_space<vmem_shared>> -> memref<96x128xf32, #tpu.memory_space<vmem_shared>>
      %dma_wait3A_80 = arith.constant 0 : i32
      %dma_wait3A_81 = arith.constant 0 : i32
      %dma_wait3A_82 = tpu.memref_slice %arg8[%dma_wait3A_80, %dma_wait3A_81] : memref<100x128xf32, #tpu.memory_space<vmem>> -> memref<96x128xf32, #tpu.memory_space<vmem>>
      tpu.wait_dma2 semaphore(%run_scoped3A_62 : memref<!tpu.dma_semaphore, #tpu.memory_space<semaphore_mem>>) src(%dma_wait3A_82 : memref<96x128xf32, #tpu.memory_space<vmem>>) dst(%dma_wait3A_79 : memref<96x128xf32, #tpu.memory_space<vmem_shared>>)
      tpu.yield
    }) : () -> ()
    %add3A_11 = arith.constant 96 : i32
    %add3A_12 = arith.addi %mul3A_8, %add3A_11 : i32
    "tpu.region"() ({
      %run_scoped3A_62 = tpu.sem_alloc : memref<!tpu.dma_semaphore, #tpu.memory_space<semaphore_mem>>
      %dma_start3A_63 = arith.constant 0 : i32
      %dma_start3A_64 = arith.constant 0 : i32
      %dma_start3A_65 = tpu.memref_slice %arg8[%dma_start3A_63, %dma_start3A_64] : memref<100x128xf32, #tpu.memory_space<vmem>> -> memref<96x128xf32, #tpu.memory_space<vmem>>
      %dma_start3A_66 = arith.constant 0 : i32
      %dma_start3A_67 = tpu.memref_slice %arg10[%add3A_12, %dma_start3A_66] : memref<10112x128xf32, #tpu.memory_space<vmem_shared>> -> memref<96x128xf32, #tpu.memory_space<vmem_shared>>
      %dma_start3A_68 = arith.constant 0 : i32
      %dma_start3A_69 = tpu.memref_slice %arg10[%add3A_12, %dma_start3A_68] : memref<10112x128xf32, #tpu.memory_space<vmem_shared>> -> memref<96x128xf32, #tpu.memory_space<vmem_shared>>
      %dma_start3A_70 = arith.constant 0 : i32
      %dma_start3A_71 = arith.constant 0 : i32
      %dma_start3A_72 = tpu.memref_slice %arg8[%dma_start3A_70, %dma_start3A_71] : memref<100x128xf32, #tpu.memory_space<vmem>> -> memref<96x128xf32, #tpu.memory_space<vmem>>
      tpu.enqueue_dma source(%dma_start3A_72 : memref<96x128xf32, #tpu.memory_space<vmem>>) target(%dma_start3A_69 : memref<96x128xf32, #tpu.memory_space<vmem_shared>>) target_semaphore(%run_scoped3A_62 : memref<!tpu.dma_semaphore, #tpu.memory_space<semaphore_mem>>)
      %dma_wait3A_73 = arith.constant 0 : i32
      %dma_wait3A_74 = arith.constant 0 : i32
      %dma_wait3A_75 = tpu.memref_slice %arg8[%dma_wait3A_73, %dma_wait3A_74] : memref<100x128xf32, #tpu.memory_space<vmem>> -> memref<96x128xf32, #tpu.memory_space<vmem>>
      %dma_wait3A_76 = arith.constant 0 : i32
      %dma_wait3A_77 = tpu.memref_slice %arg10[%add3A_12, %dma_wait3A_76] : memref<10112x128xf32, #tpu.memory_space<vmem_shared>> -> memref<96x128xf32, #tpu.memory_space<vmem_shared>>
      %dma_wait3A_78 = arith.constant 0 : i32
      %dma_wait3A_79 = tpu.memref_slice %arg10[%add3A_12, %dma_wait3A_78] : memref<10112x128xf32, #tpu.memory_space<vmem_shared>> -> memref<96x128xf32, #tpu.memory_space<vmem_shared>>
      %dma_wait3A_80 = arith.constant 0 : i32
      %dma_wait3A_81 = arith.constant 0 : i32
      %dma_wait3A_82 = tpu.memref_slice %arg8[%dma_wait3A_80, %dma_wait3A_81] : memref<100x128xf32, #tpu.memory_space<vmem>> -> memref<96x128xf32, #tpu.memory_space<vmem>>
      tpu.wait_dma2 semaphore(%run_scoped3A_62 : memref<!tpu.dma_semaphore, #tpu.memory_space<semaphore_mem>>) src(%dma_wait3A_82 : memref<96x128xf32, #tpu.memory_space<vmem>>) dst(%dma_wait3A_79 : memref<96x128xf32, #tpu.memory_space<vmem_shared>>)
      tpu.yield
    }) : () -> ()
    %add3A_13 = arith.constant 192 : i32
    %add3A_14 = arith.addi %mul3A_8, %add3A_13 : i32
    "tpu.region"() ({
      %run_scoped3A_62 = tpu.sem_alloc : memref<!tpu.dma_semaphore, #tpu.memory_space<semaphore_mem>>
      %dma_start3A_63 = arith.constant 0 : i32
      %dma_start3A_64 = arith.constant 0 : i32
      %dma_start3A_65 = tpu.memref_slice %arg8[%dma_start3A_63, %dma_start3A_64] : memref<100x128xf32, #tpu.memory_space<vmem>> -> memref<96x128xf32, #tpu.memory_space<vmem>>
      %dma_start3A_66 = arith.constant 0 : i32
      %dma_start3A_67 = tpu.memref_slice %arg10[%add3A_14, %dma_start3A_66] : memref<10112x128xf32, #tpu.memory_space<vmem_shared>> -> memref<96x128xf32, #tpu.memory_space<vmem_shared>>
      %dma_start3A_68 = arith.constant 0 : i32
      %dma_start3A_69 = tpu.memref_slice %arg10[%add3A_14, %dma_start3A_68] : memref<10112x128xf32, #tpu.memory_space<vmem_shared>> -> memref<96x128xf32, #tpu.memory_space<vmem_shared>>
      %dma_start3A_70 = arith.constant 0 : i32
      %dma_start3A_71 = arith.constant 0 : i32
      %dma_start3A_72 = tpu.memref_slice %arg8[%dma_start3A_70, %dma_start3A_71] : memref<100x128xf32, #tpu.memory_space<vmem>> -> memref<96x128xf32, #tpu.memory_space<vmem>>
      tpu.enqueue_dma source(%dma_start3A_72 : memref<96x128xf32, #tpu.memory_space<vmem>>) target(%dma_start3A_69 : memref<96x128xf32, #tpu.memory_space<vmem_shared>>) target_semaphore(%run_scoped3A_62 : memref<!tpu.dma_semaphore, #tpu.memory_space<semaphore_mem>>)
      %dma_wait3A_73 = arith.constant 0 : i32
      %dma_wait3A_74 = arith.constant 0 : i32
      %dma_wait3A_75 = tpu.memref_slice %arg8[%dma_wait3A_73, %dma_wait3A_74] : memref<100x128xf32, #tpu.memory_space<vmem>> -> memref<96x128xf32, #tpu.memory_space<vmem>>
      %dma_wait3A_76 = arith.constant 0 : i32
      %dma_wait3A_77 = tpu.memref_slice %arg10[%add3A_14, %dma_wait3A_76] : memref<10112x128xf32, #tpu.memory_space<vmem_shared>> -> memref<96x128xf32, #tpu.memory_space<vmem_shared>>
      %dma_wait3A_78 = arith.constant 0 : i32
      %dma_wait3A_79 = tpu.memref_slice %arg10[%add3A_14, %dma_wait3A_78] : memref<10112x128xf32, #tpu.memory_space<vmem_shared>> -> memref<96x128xf32, #tpu.memory_space<vmem_shared>>
      %dma_wait3A_80 = arith.constant 0 : i32
      %dma_wait3A_81 = arith.constant 0 : i32
      %dma_wait3A_82 = tpu.memref_slice %arg8[%dma_wait3A_80, %dma_wait3A_81] : memref<100x128xf32, #tpu.memory_space<vmem>> -> memref<96x128xf32, #tpu.memory_space<vmem>>
      tpu.wait_dma2 semaphore(%run_scoped3A_62 : memref<!tpu.dma_semaphore, #tpu.memory_space<semaphore_mem>>) src(%dma_wait3A_82 : memref<96x128xf32, #tpu.memory_space<vmem>>) dst(%dma_wait3A_79 : memref<96x128xf32, #tpu.memory_space<vmem_shared>>)
      tpu.yield
    }) : () -> ()
    %add3A_15 = arith.constant 288 : i32
    %add3A_16 = arith.addi %mul3A_8, %add3A_15 : i32
    "tpu.region"() ({
      %run_scoped3A_62 = tpu.sem_alloc : memref<!tpu.dma_semaphore, #tpu.memory_space<semaphore_mem>>
      %dma_start3A_63 = arith.constant 0 : i32
      %dma_start3A_64 = arith.constant 0 : i32
      %dma_start3A_65 = tpu.memref_slice %arg8[%dma_start3A_63, %dma_start3A_64] : memref<100x128xf32, #tpu.memory_space<vmem>> -> memref<96x128xf32, #tpu.memory_space<vmem>>
      %dma_start3A_66 = arith.constant 0 : i32
      %dma_start3A_67 = tpu.memref_slice %arg10[%add3A_16, %dma_start3A_66] : memref<10112x128xf32, #tpu.memory_space<vmem_shared>> -> memref<96x128xf32, #tpu.memory_space<vmem_shared>>
      %dma_start3A_68 = arith.constant 0 : i32
      %dma_start3A_69 = tpu.memref_slice %arg10[%add3A_16, %dma_start3A_68] : memref<10112x128xf32, #tpu.memory_space<vmem_shared>> -> memref<96x128xf32, #tpu.memory_space<vmem_shared>>
      %dma_start3A_70 = arith.constant 0 : i32
      %dma_start3A_71 = arith.constant 0 : i32
      %dma_start3A_72 = tpu.memref_slice %arg8[%dma_start3A_70, %dma_start3A_71] : memref<100x128xf32, #tpu.memory_space<vmem>> -> memref<96x128xf32, #tpu.memory_space<vmem>>
      tpu.enqueue_dma source(%dma_start3A_72 : memref<96x128xf32, #tpu.memory_space<vmem>>) target(%dma_start3A_69 : memref<96x128xf32, #tpu.memory_space<vmem_shared>>) target_semaphore(%run_scoped3A_62 : memref<!tpu.dma_semaphore, #tpu.memory_space<semaphore_mem>>)
      %dma_wait3A_73 = arith.constant 0 : i32
      %dma_wait3A_74 = arith.constant 0 : i32
      %dma_wait3A_75 = tpu.memref_slice %arg8[%dma_wait3A_73, %dma_wait3A_74] : memref<100x128xf32, #tpu.memory_space<vmem>> -> memref<96x128xf32, #tpu.memory_space<vmem>>
      %dma_wait3A_76 = arith.constant 0 : i32
      %dma_wait3A_77 = tpu.memref_slice %arg10[%add3A_16, %dma_wait3A_76] : memref<10112x128xf32, #tpu.memory_space<vmem_shared>> -> memref<96x128xf32, #tpu.memory_space<vmem_shared>>
      %dma_wait3A_78 = arith.constant 0 : i32
      %dma_wait3A_79 = tpu.memref_slice %arg10[%add3A_16, %dma_wait3A_78] : memref<10112x128xf32, #tpu.memory_space<vmem_shared>> -> memref<96x128xf32, #tpu.memory_space<vmem_shared>>
      %dma_wait3A_80 = arith.constant 0 : i32
      %dma_wait3A_81 = arith.constant 0 : i32
      %dma_wait3A_82 = tpu.memref_slice %arg8[%dma_wait3A_80, %dma_wait3A_81] : memref<100x128xf32, #tpu.memory_space<vmem>> -> memref<96x128xf32, #tpu.memory_space<vmem>>
      tpu.wait_dma2 semaphore(%run_scoped3A_62 : memref<!tpu.dma_semaphore, #tpu.memory_space<semaphore_mem>>) src(%dma_wait3A_82 : memref<96x128xf32, #tpu.memory_space<vmem>>) dst(%dma_wait3A_79 : memref<96x128xf32, #tpu.memory_space<vmem_shared>>)
      tpu.yield
    }) : () -> ()
    %add3A_17 = arith.constant 384 : i32
    %add3A_18 = arith.addi %mul3A_8, %add3A_17 : i32
    "tpu.region"() ({
      %run_scoped3A_62 = tpu.sem_alloc : memref<!tpu.dma_semaphore, #tpu.memory_space<semaphore_mem>>
      %dma_start3A_63 = arith.constant 0 : i32
      %dma_start3A_64 = arith.constant 0 : i32
      %dma_start3A_65 = tpu.memref_slice %arg8[%dma_start3A_63, %dma_start3A_64] : memref<100x128xf32, #tpu.memory_space<vmem>> -> memref<96x128xf32, #tpu.memory_space<vmem>>
      %dma_start3A_66 = arith.constant 0 : i32
      %dma_start3A_67 = tpu.memref_slice %arg10[%add3A_18, %dma_start3A_66] : memref<10112x128xf32, #tpu.memory_space<vmem_shared>> -> memref<96x128xf32, #tpu.memory_space<vmem_shared>>
      %dma_start3A_68 = arith.constant 0 : i32
      %dma_start3A_69 = tpu.memref_slice %arg10[%add3A_18, %dma_start3A_68] : memref<10112x128xf32, #tpu.memory_space<vmem_shared>> -> memref<96x128xf32, #tpu.memory_space<vmem_shared>>
      %dma_start3A_70 = arith.constant 0 : i32
      %dma_start3A_71 = arith.constant 0 : i32
      %dma_start3A_72 = tpu.memref_slice %arg8[%dma_start3A_70, %dma_start3A_71] : memref<100x128xf32, #tpu.memory_space<vmem>> -> memref<96x128xf32, #tpu.memory_space<vmem>>
      tpu.enqueue_dma source(%dma_start3A_72 : memref<96x128xf32, #tpu.memory_space<vmem>>) target(%dma_start3A_69 : memref<96x128xf32, #tpu.memory_space<vmem_shared>>) target_semaphore(%run_scoped3A_62 : memref<!tpu.dma_semaphore, #tpu.memory_space<semaphore_mem>>)
      %dma_wait3A_73 = arith.constant 0 : i32
      %dma_wait3A_74 = arith.constant 0 : i32
      %dma_wait3A_75 = tpu.memref_slice %arg8[%dma_wait3A_73, %dma_wait3A_74] : memref<100x128xf32, #tpu.memory_space<vmem>> -> memref<96x128xf32, #tpu.memory_space<vmem>>
      %dma_wait3A_76 = arith.constant 0 : i32
      %dma_wait3A_77 = tpu.memref_slice %arg10[%add3A_18, %dma_wait3A_76] : memref<10112x128xf32, #tpu.memory_space<vmem_shared>> -> memref<96x128xf32, #tpu.memory_space<vmem_shared>>
      %dma_wait3A_78 = arith.constant 0 : i32
      %dma_wait3A_79 = tpu.memref_slice %arg10[%add3A_18, %dma_wait3A_78] : memref<10112x128xf32, #tpu.memory_space<vmem_shared>> -> memref<96x128xf32, #tpu.memory_space<vmem_shared>>
      %dma_wait3A_80 = arith.constant 0 : i32
      %dma_wait3A_81 = arith.constant 0 : i32
      %dma_wait3A_82 = tpu.memref_slice %arg8[%dma_wait3A_80, %dma_wait3A_81] : memref<100x128xf32, #tpu.memory_space<vmem>> -> memref<96x128xf32, #tpu.memory_space<vmem>>
      tpu.wait_dma2 semaphore(%run_scoped3A_62 : memref<!tpu.dma_semaphore, #tpu.memory_space<semaphore_mem>>) src(%dma_wait3A_82 : memref<96x128xf32, #tpu.memory_space<vmem>>) dst(%dma_wait3A_79 : memref<96x128xf32, #tpu.memory_space<vmem_shared>>)
      tpu.yield
    }) : () -> ()
    %add3A_19 = arith.constant 480 : i32
    %add3A_20 = arith.addi %mul3A_8, %add3A_19 : i32
    "tpu.region"() ({
      %run_scoped3A_62 = tpu.sem_alloc : memref<!tpu.dma_semaphore, #tpu.memory_space<semaphore_mem>>
      %dma_start3A_63 = arith.constant 0 : i32
      %dma_start3A_64 = arith.constant 0 : i32
      %dma_start3A_65 = tpu.memref_slice %arg8[%dma_start3A_63, %dma_start3A_64] : memref<100x128xf32, #tpu.memory_space<vmem>> -> memref<96x128xf32, #tpu.memory_space<vmem>>
      %dma_start3A_66 = arith.constant 0 : i32
      %dma_start3A_67 = tpu.memref_slice %arg10[%add3A_20, %dma_start3A_66] : memref<10112x128xf32, #tpu.memory_space<vmem_shared>> -> memref<96x128xf32, #tpu.memory_space<vmem_shared>>
      %dma_start3A_68 = arith.constant 0 : i32
      %dma_start3A_69 = tpu.memref_slice %arg10[%add3A_20, %dma_start3A_68] : memref<10112x128xf32, #tpu.memory_space<vmem_shared>> -> memref<96x128xf32, #tpu.memory_space<vmem_shared>>
      %dma_start3A_70 = arith.constant 0 : i32
      %dma_start3A_71 = arith.constant 0 : i32
      %dma_start3A_72 = tpu.memref_slice %arg8[%dma_start3A_70, %dma_start3A_71] : memref<100x128xf32, #tpu.memory_space<vmem>> -> memref<96x128xf32, #tpu.memory_space<vmem>>
      tpu.enqueue_dma source(%dma_start3A_72 : memref<96x128xf32, #tpu.memory_space<vmem>>) target(%dma_start3A_69 : memref<96x128xf32, #tpu.memory_space<vmem_shared>>) target_semaphore(%run_scoped3A_62 : memref<!tpu.dma_semaphore, #tpu.memory_space<semaphore_mem>>)
      %dma_wait3A_73 = arith.constant 0 : i32
      %dma_wait3A_74 = arith.constant 0 : i32
      %dma_wait3A_75 = tpu.memref_slice %arg8[%dma_wait3A_73, %dma_wait3A_74] : memref<100x128xf32, #tpu.memory_space<vmem>> -> memref<96x128xf32, #tpu.memory_space<vmem>>
      %dma_wait3A_76 = arith.constant 0 : i32
      %dma_wait3A_77 = tpu.memref_slice %arg10[%add3A_20, %dma_wait3A_76] : memref<10112x128xf32, #tpu.memory_space<vmem_shared>> -> memref<96x128xf32, #tpu.memory_space<vmem_shared>>
      %dma_wait3A_78 = arith.constant 0 : i32
      %dma_wait3A_79 = tpu.memref_slice %arg10[%add3A_20, %dma_wait3A_78] : memref<10112x128xf32, #tpu.memory_space<vmem_shared>> -> memref<96x128xf32, #tpu.memory_space<vmem_shared>>
      %dma_wait3A_80 = arith.constant 0 : i32
      %dma_wait3A_81 = arith.constant 0 : i32
      %dma_wait3A_82 = tpu.memref_slice %arg8[%dma_wait3A_80, %dma_wait3A_81] : memref<100x128xf32, #tpu.memory_space<vmem>> -> memref<96x128xf32, #tpu.memory_space<vmem>>
      tpu.wait_dma2 semaphore(%run_scoped3A_62 : memref<!tpu.dma_semaphore, #tpu.memory_space<semaphore_mem>>) src(%dma_wait3A_82 : memref<96x128xf32, #tpu.memory_space<vmem>>) dst(%dma_wait3A_79 : memref<96x128xf32, #tpu.memory_space<vmem_shared>>)
      tpu.yield
    }) : () -> ()
    %add3A_21 = arith.constant 632 : i32
    %add3A_22 = arith.addi %mul3A_8, %add3A_21 : i32
    %sub3A = arith.constant 56 : i32
    %sub3A_23 = arith.subi %add3A_22, %sub3A : i32
    "tpu.region"() ({
      %run_scoped3A_62 = tpu.sem_alloc : memref<!tpu.dma_semaphore, #tpu.memory_space<semaphore_mem>>
      %dma_start3A_63 = arith.constant 0 : i32
      %dma_start3A_64 = arith.constant 0 : i32
      %dma_start3A_65 = tpu.memref_slice %arg8[%dma_start3A_63, %dma_start3A_64] : memref<100x128xf32, #tpu.memory_space<vmem>> -> memref<56x128xf32, #tpu.memory_space<vmem>>
      %dma_start3A_66 = arith.constant 0 : i32
      %dma_start3A_67 = tpu.memref_slice %arg10[%sub3A_23, %dma_start3A_66] : memref<10112x128xf32, #tpu.memory_space<vmem_shared>> -> memref<56x128xf32, #tpu.memory_space<vmem_shared>>
      %dma_start3A_68 = arith.constant 0 : i32
      %dma_start3A_69 = tpu.memref_slice %arg10[%sub3A_23, %dma_start3A_68] : memref<10112x128xf32, #tpu.memory_space<vmem_shared>> -> memref<56x128xf32, #tpu.memory_space<vmem_shared>>
      %dma_start3A_70 = arith.constant 0 : i32
      %dma_start3A_71 = arith.constant 0 : i32
      %dma_start3A_72 = tpu.memref_slice %arg8[%dma_start3A_70, %dma_start3A_71] : memref<100x128xf32, #tpu.memory_space<vmem>> -> memref<56x128xf32, #tpu.memory_space<vmem>>
      tpu.enqueue_dma source(%dma_start3A_72 : memref<56x128xf32, #tpu.memory_space<vmem>>) target(%dma_start3A_69 : memref<56x128xf32, #tpu.memory_space<vmem_shared>>) target_semaphore(%run_scoped3A_62 : memref<!tpu.dma_semaphore, #tpu.memory_space<semaphore_mem>>)
      %dma_wait3A_73 = arith.constant 0 : i32
      %dma_wait3A_74 = arith.constant 0 : i32
      %dma_wait3A_75 = tpu.memref_slice %arg8[%dma_wait3A_73, %dma_wait3A_74] : memref<100x128xf32, #tpu.memory_space<vmem>> -> memref<56x128xf32, #tpu.memory_space<vmem>>
      %dma_wait3A_76 = arith.constant 0 : i32
      %dma_wait3A_77 = tpu.memref_slice %arg10[%sub3A_23, %dma_wait3A_76] : memref<10112x128xf32, #tpu.memory_space<vmem_shared>> -> memref<56x128xf32, #tpu.memory_space<vmem_shared>>
      %dma_wait3A_78 = arith.constant 0 : i32
      %dma_wait3A_79 = tpu.memref_slice %arg10[%sub3A_23, %dma_wait3A_78] : memref<10112x128xf32, #tpu.memory_space<vmem_shared>> -> memref<56x128xf32, #tpu.memory_space<vmem_shared>>
      %dma_wait3A_80 = arith.constant 0 : i32
      %dma_wait3A_81 = arith.constant 0 : i32
      %dma_wait3A_82 = tpu.memref_slice %arg8[%dma_wait3A_80, %dma_wait3A_81] : memref<100x128xf32, #tpu.memory_space<vmem>> -> memref<56x128xf32, #tpu.memory_space<vmem>>
      tpu.wait_dma2 semaphore(%run_scoped3A_62 : memref<!tpu.dma_semaphore, #tpu.memory_space<semaphore_mem>>) src(%dma_wait3A_82 : memref<56x128xf32, #tpu.memory_space<vmem>>) dst(%dma_wait3A_79 : memref<56x128xf32, #tpu.memory_space<vmem_shared>>)
      tpu.yield
    }) : () -> ()
    "tpu.region"() ({
      %run_scoped3A_62 = tpu.sem_alloc : memref<!tpu.dma_semaphore, #tpu.memory_space<semaphore_mem>>
      %dma_start3A_63 = arith.constant 0 : i32
      %dma_start3A_64 = arith.constant 0 : i32
      %dma_start3A_65 = tpu.memref_slice %arg3[%add3A, %dma_start3A_63, %dma_start3A_64] : memref<32x100x100xi32, #tpu.memory_space<hbm>> -> memref<1x100x100xi32, #tpu.memory_space<hbm>>
      %dma_start3A_66 = tpu.memref_squeeze %dma_start3A_65 : memref<1x100x100xi32, #tpu.memory_space<hbm>> -> memref<100x100xi32, #tpu.memory_space<hbm>>
      %dma_start3A_67 = arith.constant 0 : i32
      %dma_start3A_68 = arith.constant 0 : i32
      %dma_start3A_69 = tpu.memref_slice %arg3[%add3A, %dma_start3A_67, %dma_start3A_68] : memref<32x100x100xi32, #tpu.memory_space<hbm>> -> memref<1x100x100xi32, #tpu.memory_space<hbm>>
      %dma_start3A_70 = tpu.memref_squeeze %dma_start3A_69 : memref<1x100x100xi32, #tpu.memory_space<hbm>> -> memref<100x100xi32, #tpu.memory_space<hbm>>
      tpu.enqueue_dma source(%dma_start3A_70 : memref<100x100xi32, #tpu.memory_space<hbm>>) target(%arg6 : memref<100x100xi32, #tpu.memory_space<vmem>>) target_semaphore(%run_scoped3A_62 : memref<!tpu.dma_semaphore, #tpu.memory_space<semaphore_mem>>)
      %dma_wait3A_71 = arith.constant 0 : i32
      %dma_wait3A_72 = arith.constant 0 : i32
      %dma_wait3A_73 = tpu.memref_slice %arg3[%add3A, %dma_wait3A_71, %dma_wait3A_72] : memref<32x100x100xi32, #tpu.memory_space<hbm>> -> memref<1x100x100xi32, #tpu.memory_space<hbm>>
      %dma_wait3A_74 = tpu.memref_squeeze %dma_wait3A_73 : memref<1x100x100xi32, #tpu.memory_space<hbm>> -> memref<100x100xi32, #tpu.memory_space<hbm>>
      %dma_wait3A_75 = arith.constant 0 : i32
      %dma_wait3A_76 = arith.constant 0 : i32
      %dma_wait3A_77 = tpu.memref_slice %arg3[%add3A, %dma_wait3A_75, %dma_wait3A_76] : memref<32x100x100xi32, #tpu.memory_space<hbm>> -> memref<1x100x100xi32, #tpu.memory_space<hbm>>
      %dma_wait3A_78 = tpu.memref_squeeze %dma_wait3A_77 : memref<1x100x100xi32, #tpu.memory_space<hbm>> -> memref<100x100xi32, #tpu.memory_space<hbm>>
      tpu.wait_dma2 semaphore(%run_scoped3A_62 : memref<!tpu.dma_semaphore, #tpu.memory_space<semaphore_mem>>) src(%dma_wait3A_78 : memref<100x100xi32, #tpu.memory_space<hbm>>) dst(%arg6 : memref<100x100xi32, #tpu.memory_space<vmem>>)
      tpu.yield
    }) : () -> ()
    "tpu.region"() ({
      %run_scoped3A_62 = tpu.sem_alloc : memref<!tpu.dma_semaphore, #tpu.memory_space<semaphore_mem>>
      %dma_start3A_63 = arith.constant 0 : i32
      %dma_start3A_64 = arith.constant 0 : i32
      %dma_start3A_65 = tpu.memref_slice %arg4[%add3A, %dma_start3A_63, %dma_start3A_64] : memref<32x100x100xi32, #tpu.memory_space<hbm>> -> memref<1x100x100xi32, #tpu.memory_space<hbm>>
      %dma_start3A_66 = tpu.memref_squeeze %dma_start3A_65 : memref<1x100x100xi32, #tpu.memory_space<hbm>> -> memref<100x100xi32, #tpu.memory_space<hbm>>
      %dma_start3A_67 = arith.constant 0 : i32
      %dma_start3A_68 = arith.constant 0 : i32
      %dma_start3A_69 = tpu.memref_slice %arg4[%add3A, %dma_start3A_67, %dma_start3A_68] : memref<32x100x100xi32, #tpu.memory_space<hbm>> -> memref<1x100x100xi32, #tpu.memory_space<hbm>>
      %dma_start3A_70 = tpu.memref_squeeze %dma_start3A_69 : memref<1x100x100xi32, #tpu.memory_space<hbm>> -> memref<100x100xi32, #tpu.memory_space<hbm>>
      tpu.enqueue_dma source(%dma_start3A_70 : memref<100x100xi32, #tpu.memory_space<hbm>>) target(%arg7 : memref<100x100xi32, #tpu.memory_space<vmem>>) target_semaphore(%run_scoped3A_62 : memref<!tpu.dma_semaphore, #tpu.memory_space<semaphore_mem>>)
      %dma_wait3A_71 = arith.constant 0 : i32
      %dma_wait3A_72 = arith.constant 0 : i32
      %dma_wait3A_73 = tpu.memref_slice %arg4[%add3A, %dma_wait3A_71, %dma_wait3A_72] : memref<32x100x100xi32, #tpu.memory_space<hbm>> -> memref<1x100x100xi32, #tpu.memory_space<hbm>>
      %dma_wait3A_74 = tpu.memref_squeeze %dma_wait3A_73 : memref<1x100x100xi32, #tpu.memory_space<hbm>> -> memref<100x100xi32, #tpu.memory_space<hbm>>
      %dma_wait3A_75 = arith.constant 0 : i32
      %dma_wait3A_76 = arith.constant 0 : i32
      %dma_wait3A_77 = tpu.memref_slice %arg4[%add3A, %dma_wait3A_75, %dma_wait3A_76] : memref<32x100x100xi32, #tpu.memory_space<hbm>> -> memref<1x100x100xi32, #tpu.memory_space<hbm>>
      %dma_wait3A_78 = tpu.memref_squeeze %dma_wait3A_77 : memref<1x100x100xi32, #tpu.memory_space<hbm>> -> memref<100x100xi32, #tpu.memory_space<hbm>>
      tpu.wait_dma2 semaphore(%run_scoped3A_62 : memref<!tpu.dma_semaphore, #tpu.memory_space<semaphore_mem>>) src(%dma_wait3A_78 : memref<100x100xi32, #tpu.memory_space<hbm>>) dst(%arg7 : memref<100x100xi32, #tpu.memory_space<vmem>>)
      tpu.yield
    }) : () -> ()
    %barrier3A = arith.constant 0 : index
    tpu.barrier barrier_id(%barrier3A)
    %dma_start3A = arith.constant 0 : i32
    %dma_start3A_24 = arith.constant 0 : i32
    %dma_start3A_25 = tpu.memref_slice %arg6[%dma_start3A, %dma_start3A_24] : memref<100x100xi32, #tpu.memory_space<vmem>> -> memref<1x100xi32, #tpu.memory_space<vmem>>
    %dma_start3A_26 = tpu.memref_squeeze %dma_start3A_25 : memref<1x100xi32, #tpu.memory_space<vmem>> -> memref<100xi32, #tpu.memory_space<vmem>>
    %dma_start3A_27 = arith.constant 0 : i32
    %dma_start3A_28 = arith.constant 0 : i32
    %dma_start3A_29 = tpu.memref_slice %arg2[%dma_start3A_27, %dma_start3A_28] : memref<10000x128xf32, #tpu.memory_space<hbm>> -> memref<10000x128xf32, #tpu.memory_space<hbm>>
    tpu.enqueue_indirect_dma source(%dma_start3A_29 : memref<10000x128xf32, #tpu.memory_space<hbm>>) target(%arg8 : memref<100x128xf32, #tpu.memory_space<vmem>>) offsets(%dma_start3A_26 : memref<100xi32, #tpu.memory_space<vmem>>) semaphore(%arg11 : memref<!tpu.dma_semaphore, #tpu.memory_space<semaphore_mem>>)
    %scan3A_30 = arith.constant 0 : i32
    %scan3A_31 = arith.constant 0 : i32
    %scan3A_32 = arith.constant 49 : i32
    %scan3A_33 = arith.addi %scan3A_31, %scan3A_32 : i32
    %scan3A_34 = arith.constant 1 : i32
    scf.for %scan3A_62 = %scan3A_31 to %scan3A_33 step %scan3A_34  : i32 {
      %mul3A_63 = arith.constant 2 : i32
      %mul3A_64 = arith.muli %mul3A_63, %scan3A_62 : i32
      %add3A_65 = arith.constant 1 : i32
      %add3A_66 = arith.addi %mul3A_64, %add3A_65 : i32
      %dma_start3A_67 = arith.constant 0 : i32
      %dma_start3A_68 = tpu.memref_slice %arg6[%add3A_66, %dma_start3A_67] : memref<100x100xi32, #tpu.memory_space<vmem>> -> memref<1x100xi32, #tpu.memory_space<vmem>>
      %dma_start3A_69 = tpu.memref_squeeze %dma_start3A_68 : memref<1x100xi32, #tpu.memory_space<vmem>> -> memref<100xi32, #tpu.memory_space<vmem>>
      %dma_start3A_70 = arith.constant 0 : i32
      %dma_start3A_71 = arith.constant 0 : i32
      %dma_start3A_72 = tpu.memref_slice %arg2[%dma_start3A_70, %dma_start3A_71] : memref<10000x128xf32, #tpu.memory_space<hbm>> -> memref<10000x128xf32, #tpu.memory_space<hbm>>
      tpu.enqueue_indirect_dma source(%dma_start3A_72 : memref<10000x128xf32, #tpu.memory_space<hbm>>) target(%arg9 : memref<100x128xf32, #tpu.memory_space<vmem>>) offsets(%dma_start3A_69 : memref<100xi32, #tpu.memory_space<vmem>>) semaphore(%arg12 : memref<!tpu.dma_semaphore, #tpu.memory_space<semaphore_mem>>)
      %dma_wait3A_73 = arith.constant 0 : i32
      %dma_wait3A_74 = tpu.memref_slice %arg6[%mul3A_64, %dma_wait3A_73] : memref<100x100xi32, #tpu.memory_space<vmem>> -> memref<1x100xi32, #tpu.memory_space<vmem>>
      %dma_wait3A_75 = tpu.memref_squeeze %dma_wait3A_74 : memref<1x100xi32, #tpu.memory_space<vmem>> -> memref<100xi32, #tpu.memory_space<vmem>>
      %dma_wait3A_76 = arith.constant 0 : i32
      %dma_wait3A_77 = arith.constant 0 : i32
      %dma_wait3A_78 = tpu.memref_slice %arg2[%dma_wait3A_76, %dma_wait3A_77] : memref<10000x128xf32, #tpu.memory_space<hbm>> -> memref<10000x128xf32, #tpu.memory_space<hbm>>
      tpu.wait_indirect_dma semaphore(%arg11 : memref<!tpu.dma_semaphore, #tpu.memory_space<semaphore_mem>>) src(%dma_wait3A_78 : memref<10000x128xf32, #tpu.memory_space<hbm>>) dst(%arg8 : memref<100x128xf32, #tpu.memory_space<vmem>>)
      "tpu.region"() ({
        %run_scoped3A_97 = tpu.sem_alloc : memref<!tpu.dma_semaphore, #tpu.memory_space<semaphore_mem>>
        %dma_start3A_98 = arith.constant 0 : i32
        %dma_start3A_99 = tpu.memref_slice %arg7[%mul3A_64, %dma_start3A_98] : memref<100x100xi32, #tpu.memory_space<vmem>> -> memref<1x100xi32, #tpu.memory_space<vmem>>
        %dma_start3A_100 = tpu.memref_squeeze %dma_start3A_99 : memref<1x100xi32, #tpu.memory_space<vmem>> -> memref<100xi32, #tpu.memory_space<vmem>>
        %dma_start3A_101 = arith.constant 0 : i32
        %dma_start3A_102 = arith.constant 0 : i32
        %dma_start3A_103 = tpu.memref_slice %arg10[%dma_start3A_101, %dma_start3A_102] : memref<10112x128xf32, #tpu.memory_space<vmem_shared>> -> memref<10112x128xf32, #tpu.memory_space<vmem_shared>>
        tpu.enqueue_indirect_dma source(%arg8 : memref<100x128xf32, #tpu.memory_space<vmem>>) target(%dma_start3A_103 : memref<10112x128xf32, #tpu.memory_space<vmem_shared>>) offsets(%dma_start3A_100 : memref<100xi32, #tpu.memory_space<vmem>>) semaphore(%run_scoped3A_97 : memref<!tpu.dma_semaphore, #tpu.memory_space<semaphore_mem>>) {add = true}
        %dma_wait3A_104 = arith.constant 0 : i32
        %dma_wait3A_105 = tpu.memref_slice %arg7[%mul3A_64, %dma_wait3A_104] : memref<100x100xi32, #tpu.memory_space<vmem>> -> memref<1x100xi32, #tpu.memory_space<vmem>>
        %dma_wait3A_106 = tpu.memref_squeeze %dma_wait3A_105 : memref<1x100xi32, #tpu.memory_space<vmem>> -> memref<100xi32, #tpu.memory_space<vmem>>
        %dma_wait3A_107 = arith.constant 0 : i32
        %dma_wait3A_108 = arith.constant 0 : i32
        %dma_wait3A_109 = tpu.memref_slice %arg10[%dma_wait3A_107, %dma_wait3A_108] : memref<10112x128xf32, #tpu.memory_space<vmem_shared>> -> memref<10112x128xf32, #tpu.memory_space<vmem_shared>>
        tpu.wait_indirect_dma semaphore(%run_scoped3A_97 : memref<!tpu.dma_semaphore, #tpu.memory_space<semaphore_mem>>) src(%arg8 : memref<100x128xf32, #tpu.memory_space<vmem>>) dst(%dma_wait3A_109 : memref<10112x128xf32, #tpu.memory_space<vmem_shared>>)
        tpu.yield
      }) : () -> ()
      %add3A_79 = arith.constant 2 : i32
      %add3A_80 = arith.addi %mul3A_64, %add3A_79 : i32
      %dma_start3A_81 = arith.constant 0 : i32
      %dma_start3A_82 = tpu.memref_slice %arg6[%add3A_80, %dma_start3A_81] : memref<100x100xi32, #tpu.memory_space<vmem>> -> memref<1x100xi32, #tpu.memory_space<vmem>>
      %dma_start3A_83 = tpu.memref_squeeze %dma_start3A_82 : memref<1x100xi32, #tpu.memory_space<vmem>> -> memref<100xi32, #tpu.memory_space<vmem>>
      %dma_start3A_84 = arith.constant 0 : i32
      %dma_start3A_85 = arith.constant 0 : i32
      %dma_start3A_86 = tpu.memref_slice %arg2[%dma_start3A_84, %dma_start3A_85] : memref<10000x128xf32, #tpu.memory_space<hbm>> -> memref<10000x128xf32, #tpu.memory_space<hbm>>
      tpu.enqueue_indirect_dma source(%dma_start3A_86 : memref<10000x128xf32, #tpu.memory_space<hbm>>) target(%arg8 : memref<100x128xf32, #tpu.memory_space<vmem>>) offsets(%dma_start3A_83 : memref<100xi32, #tpu.memory_space<vmem>>) semaphore(%arg11 : memref<!tpu.dma_semaphore, #tpu.memory_space<semaphore_mem>>)
      %add3A_87 = arith.constant 1 : i32
      %add3A_88 = arith.addi %mul3A_64, %add3A_87 : i32
      %dma_wait3A_89 = arith.constant 0 : i32
      %dma_wait3A_90 = tpu.memref_slice %arg6[%add3A_88, %dma_wait3A_89] : memref<100x100xi32, #tpu.memory_space<vmem>> -> memref<1x100xi32, #tpu.memory_space<vmem>>
      %dma_wait3A_91 = tpu.memref_squeeze %dma_wait3A_90 : memref<1x100xi32, #tpu.memory_space<vmem>> -> memref<100xi32, #tpu.memory_space<vmem>>
      %dma_wait3A_92 = arith.constant 0 : i32
      %dma_wait3A_93 = arith.constant 0 : i32
      %dma_wait3A_94 = tpu.memref_slice %arg2[%dma_wait3A_92, %dma_wait3A_93] : memref<10000x128xf32, #tpu.memory_space<hbm>> -> memref<10000x128xf32, #tpu.memory_space<hbm>>
      tpu.wait_indirect_dma semaphore(%arg12 : memref<!tpu.dma_semaphore, #tpu.memory_space<semaphore_mem>>) src(%dma_wait3A_94 : memref<10000x128xf32, #tpu.memory_space<hbm>>) dst(%arg9 : memref<100x128xf32, #tpu.memory_space<vmem>>)
      %add3A_95 = arith.constant 1 : i32
      %add3A_96 = arith.addi %mul3A_64, %add3A_95 : i32
      "tpu.region"() ({
        %run_scoped3A_97 = tpu.sem_alloc : memref<!tpu.dma_semaphore, #tpu.memory_space<semaphore_mem>>
        %dma_start3A_98 = arith.constant 0 : i32
        %dma_start3A_99 = tpu.memref_slice %arg7[%add3A_96, %dma_start3A_98] : memref<100x100xi32, #tpu.memory_space<vmem>> -> memref<1x100xi32, #tpu.memory_space<vmem>>
        %dma_start3A_100 = tpu.memref_squeeze %dma_start3A_99 : memref<1x100xi32, #tpu.memory_space<vmem>> -> memref<100xi32, #tpu.memory_space<vmem>>
        %dma_start3A_101 = arith.constant 0 : i32
        %dma_start3A_102 = arith.constant 0 : i32
        %dma_start3A_103 = tpu.memref_slice %arg10[%dma_start3A_101, %dma_start3A_102] : memref<10112x128xf32, #tpu.memory_space<vmem_shared>> -> memref<10112x128xf32, #tpu.memory_space<vmem_shared>>
        tpu.enqueue_indirect_dma source(%arg9 : memref<100x128xf32, #tpu.memory_space<vmem>>) target(%dma_start3A_103 : memref<10112x128xf32, #tpu.memory_space<vmem_shared>>) offsets(%dma_start3A_100 : memref<100xi32, #tpu.memory_space<vmem>>) semaphore(%run_scoped3A_97 : memref<!tpu.dma_semaphore, #tpu.memory_space<semaphore_mem>>) {add = true}
        %dma_wait3A_104 = arith.constant 0 : i32
        %dma_wait3A_105 = tpu.memref_slice %arg7[%add3A_96, %dma_wait3A_104] : memref<100x100xi32, #tpu.memory_space<vmem>> -> memref<1x100xi32, #tpu.memory_space<vmem>>
        %dma_wait3A_106 = tpu.memref_squeeze %dma_wait3A_105 : memref<1x100xi32, #tpu.memory_space<vmem>> -> memref<100xi32, #tpu.memory_space<vmem>>
        %dma_wait3A_107 = arith.constant 0 : i32
        %dma_wait3A_108 = arith.constant 0 : i32
        %dma_wait3A_109 = tpu.memref_slice %arg10[%dma_wait3A_107, %dma_wait3A_108] : memref<10112x128xf32, #tpu.memory_space<vmem_shared>> -> memref<10112x128xf32, #tpu.memory_space<vmem_shared>>
        tpu.wait_indirect_dma semaphore(%run_scoped3A_97 : memref<!tpu.dma_semaphore, #tpu.memory_space<semaphore_mem>>) src(%arg9 : memref<100x128xf32, #tpu.memory_space<vmem>>) dst(%dma_wait3A_109 : memref<10112x128xf32, #tpu.memory_space<vmem_shared>>)
        tpu.yield
      }) : () -> ()
    }
    %scan3A_35 = arith.constant 49 : i32
    %dma_start3A_36 = arith.constant 99 : i32
    %dma_start3A_37 = arith.constant 0 : i32
    %dma_start3A_38 = tpu.memref_slice %arg6[%dma_start3A_36, %dma_start3A_37] : memref<100x100xi32, #tpu.memory_space<vmem>> -> memref<1x100xi32, #tpu.memory_space<vmem>>
    %dma_start3A_39 = tpu.memref_squeeze %dma_start3A_38 : memref<1x100xi32, #tpu.memory_space<vmem>> -> memref<100xi32, #tpu.memory_space<vmem>>
    %dma_start3A_40 = arith.constant 0 : i32
    %dma_start3A_41 = arith.constant 0 : i32
    %dma_start3A_42 = tpu.memref_slice %arg2[%dma_start3A_40, %dma_start3A_41] : memref<10000x128xf32, #tpu.memory_space<hbm>> -> memref<10000x128xf32, #tpu.memory_space<hbm>>
    tpu.enqueue_indirect_dma source(%dma_start3A_42 : memref<10000x128xf32, #tpu.memory_space<hbm>>) target(%arg9 : memref<100x128xf32, #tpu.memory_space<vmem>>) offsets(%dma_start3A_39 : memref<100xi32, #tpu.memory_space<vmem>>) semaphore(%arg12 : memref<!tpu.dma_semaphore, #tpu.memory_space<semaphore_mem>>)
    %dma_wait3A = arith.constant 98 : i32
    %dma_wait3A_43 = arith.constant 0 : i32
    %dma_wait3A_44 = tpu.memref_slice %arg6[%dma_wait3A, %dma_wait3A_43] : memref<100x100xi32, #tpu.memory_space<vmem>> -> memref<1x100xi32, #tpu.memory_space<vmem>>
    %dma_wait3A_45 = tpu.memref_squeeze %dma_wait3A_44 : memref<1x100xi32, #tpu.memory_space<vmem>> -> memref<100xi32, #tpu.memory_space<vmem>>
    %dma_wait3A_46 = arith.constant 0 : i32
    %dma_wait3A_47 = arith.constant 0 : i32
    %dma_wait3A_48 = tpu.memref_slice %arg2[%dma_wait3A_46, %dma_wait3A_47] : memref<10000x128xf32, #tpu.memory_space<hbm>> -> memref<10000x128xf32, #tpu.memory_space<hbm>>
    tpu.wait_indirect_dma semaphore(%arg11 : memref<!tpu.dma_semaphore, #tpu.memory_space<semaphore_mem>>) src(%dma_wait3A_48 : memref<10000x128xf32, #tpu.memory_space<hbm>>) dst(%arg8 : memref<100x128xf32, #tpu.memory_space<vmem>>)
    %run_scoped3A = arith.constant 98 : i32
    "tpu.region"() ({
      %run_scoped3A_62 = tpu.sem_alloc : memref<!tpu.dma_semaphore, #tpu.memory_space<semaphore_mem>>
      %dma_start3A_63 = arith.constant 0 : i32
      %dma_start3A_64 = tpu.memref_slice %arg7[%run_scoped3A, %dma_start3A_63] : memref<100x100xi32, #tpu.memory_space<vmem>> -> memref<1x100xi32, #tpu.memory_space<vmem>>
      %dma_start3A_65 = tpu.memref_squeeze %dma_start3A_64 : memref<1x100xi32, #tpu.memory_space<vmem>> -> memref<100xi32, #tpu.memory_space<vmem>>
      %dma_start3A_66 = arith.constant 0 : i32
      %dma_start3A_67 = arith.constant 0 : i32
      %dma_start3A_68 = tpu.memref_slice %arg10[%dma_start3A_66, %dma_start3A_67] : memref<10112x128xf32, #tpu.memory_space<vmem_shared>> -> memref<10112x128xf32, #tpu.memory_space<vmem_shared>>
      tpu.enqueue_indirect_dma source(%arg8 : memref<100x128xf32, #tpu.memory_space<vmem>>) target(%dma_start3A_68 : memref<10112x128xf32, #tpu.memory_space<vmem_shared>>) offsets(%dma_start3A_65 : memref<100xi32, #tpu.memory_space<vmem>>) semaphore(%run_scoped3A_62 : memref<!tpu.dma_semaphore, #tpu.memory_space<semaphore_mem>>) {add = true}
      %dma_wait3A_69 = arith.constant 0 : i32
      %dma_wait3A_70 = tpu.memref_slice %arg7[%run_scoped3A, %dma_wait3A_69] : memref<100x100xi32, #tpu.memory_space<vmem>> -> memref<1x100xi32, #tpu.memory_space<vmem>>
      %dma_wait3A_71 = tpu.memref_squeeze %dma_wait3A_70 : memref<1x100xi32, #tpu.memory_space<vmem>> -> memref<100xi32, #tpu.memory_space<vmem>>
      %dma_wait3A_72 = arith.constant 0 : i32
      %dma_wait3A_73 = arith.constant 0 : i32
      %dma_wait3A_74 = tpu.memref_slice %arg10[%dma_wait3A_72, %dma_wait3A_73] : memref<10112x128xf32, #tpu.memory_space<vmem_shared>> -> memref<10112x128xf32, #tpu.memory_space<vmem_shared>>
      tpu.wait_indirect_dma semaphore(%run_scoped3A_62 : memref<!tpu.dma_semaphore, #tpu.memory_space<semaphore_mem>>) src(%arg8 : memref<100x128xf32, #tpu.memory_space<vmem>>) dst(%dma_wait3A_74 : memref<10112x128xf32, #tpu.memory_space<vmem_shared>>)
      tpu.yield
    }) : () -> ()
    %dma_wait3A_49 = arith.constant 99 : i32
    %dma_wait3A_50 = arith.constant 0 : i32
    %dma_wait3A_51 = tpu.memref_slice %arg6[%dma_wait3A_49, %dma_wait3A_50] : memref<100x100xi32, #tpu.memory_space<vmem>> -> memref<1x100xi32, #tpu.memory_space<vmem>>
    %dma_wait3A_52 = tpu.memref_squeeze %dma_wait3A_51 : memref<1x100xi32, #tpu.memory_space<vmem>> -> memref<100xi32, #tpu.memory_space<vmem>>
    %dma_wait3A_53 = arith.constant 0 : i32
    %dma_wait3A_54 = arith.constant 0 : i32
    %dma_wait3A_55 = tpu.memref_slice %arg2[%dma_wait3A_53, %dma_wait3A_54] : memref<10000x128xf32, #tpu.memory_space<hbm>> -> memref<10000x128xf32, #tpu.memory_space<hbm>>
    tpu.wait_indirect_dma semaphore(%arg12 : memref<!tpu.dma_semaphore, #tpu.memory_space<semaphore_mem>>) src(%dma_wait3A_55 : memref<10000x128xf32, #tpu.memory_space<hbm>>) dst(%arg9 : memref<100x128xf32, #tpu.memory_space<vmem>>)
    %run_scoped3A_56 = arith.constant 99 : i32
    "tpu.region"() ({
      %run_scoped3A_62 = tpu.sem_alloc : memref<!tpu.dma_semaphore, #tpu.memory_space<semaphore_mem>>
      %dma_start3A_63 = arith.constant 0 : i32
      %dma_start3A_64 = tpu.memref_slice %arg7[%run_scoped3A_56, %dma_start3A_63] : memref<100x100xi32, #tpu.memory_space<vmem>> -> memref<1x100xi32, #tpu.memory_space<vmem>>
      %dma_start3A_65 = tpu.memref_squeeze %dma_start3A_64 : memref<1x100xi32, #tpu.memory_space<vmem>> -> memref<100xi32, #tpu.memory_space<vmem>>
      %dma_start3A_66 = arith.constant 0 : i32
      %dma_start3A_67 = arith.constant 0 : i32
      %dma_start3A_68 = tpu.memref_slice %arg10[%dma_start3A_66, %dma_start3A_67] : memref<10112x128xf32, #tpu.memory_space<vmem_shared>> -> memref<10112x128xf32, #tpu.memory_space<vmem_shared>>
      tpu.enqueue_indirect_dma source(%arg9 : memref<100x128xf32, #tpu.memory_space<vmem>>) target(%dma_start3A_68 : memref<10112x128xf32, #tpu.memory_space<vmem_shared>>) offsets(%dma_start3A_65 : memref<100xi32, #tpu.memory_space<vmem>>) semaphore(%run_scoped3A_62 : memref<!tpu.dma_semaphore, #tpu.memory_space<semaphore_mem>>) {add = true}
      %dma_wait3A_69 = arith.constant 0 : i32
      %dma_wait3A_70 = tpu.memref_slice %arg7[%run_scoped3A_56, %dma_wait3A_69] : memref<100x100xi32, #tpu.memory_space<vmem>> -> memref<1x100xi32, #tpu.memory_space<vmem>>
      %dma_wait3A_71 = tpu.memref_squeeze %dma_wait3A_70 : memref<1x100xi32, #tpu.memory_space<vmem>> -> memref<100xi32, #tpu.memory_space<vmem>>
      %dma_wait3A_72 = arith.constant 0 : i32
      %dma_wait3A_73 = arith.constant 0 : i32
      %dma_wait3A_74 = tpu.memref_slice %arg10[%dma_wait3A_72, %dma_wait3A_73] : memref<10112x128xf32, #tpu.memory_space<vmem_shared>> -> memref<10112x128xf32, #tpu.memory_space<vmem_shared>>
      tpu.wait_indirect_dma semaphore(%run_scoped3A_62 : memref<!tpu.dma_semaphore, #tpu.memory_space<semaphore_mem>>) src(%arg9 : memref<100x128xf32, #tpu.memory_space<vmem>>) dst(%dma_wait3A_74 : memref<10112x128xf32, #tpu.memory_space<vmem_shared>>)
      tpu.yield
    }) : () -> ()
    %barrier3A_57 = arith.constant 0 : index
    tpu.barrier barrier_id(%barrier3A_57)
    %mul3A_58 = arith.constant 632 : i32
    %mul3A_59 = arith.muli %arg1, %mul3A_58 : i32
    %mul3A_60 = arith.constant 632 : i32
    %mul3A_61 = arith.muli %arg1, %mul3A_60 : i32
    "tpu.region"() ({
      %run_scoped3A_62 = tpu.sem_alloc : memref<!tpu.dma_semaphore, #tpu.memory_space<semaphore_mem>>
      %dma_start3A_63 = arith.constant 0 : i32
      %dma_start3A_64 = tpu.memref_slice %arg5[%arg0, %mul3A_61, %dma_start3A_63] : memref<2x10112x128xf32, #tpu.memory_space<hbm>> -> memref<1x632x128xf32, #tpu.memory_space<hbm>>
      %dma_start3A_65 = tpu.memref_squeeze %dma_start3A_64 : memref<1x632x128xf32, #tpu.memory_space<hbm>> -> memref<632x128xf32, #tpu.memory_space<hbm>>
      %dma_start3A_66 = arith.constant 0 : i32
      %dma_start3A_67 = tpu.memref_slice %arg10[%mul3A_59, %dma_start3A_66] : memref<10112x128xf32, #tpu.memory_space<vmem_shared>> -> memref<632x128xf32, #tpu.memory_space<vmem_shared>>
      tpu.enqueue_dma source(%dma_start3A_67 : memref<632x128xf32, #tpu.memory_space<vmem_shared>>) target(%dma_start3A_65 : memref<632x128xf32, #tpu.memory_space<hbm>>) target_semaphore(%run_scoped3A_62 : memref<!tpu.dma_semaphore, #tpu.memory_space<semaphore_mem>>)
      %dma_wait3A_68 = arith.constant 0 : i32
      %dma_wait3A_69 = tpu.memref_slice %arg5[%arg0, %mul3A_61, %dma_wait3A_68] : memref<2x10112x128xf32, #tpu.memory_space<hbm>> -> memref<1x632x128xf32, #tpu.memory_space<hbm>>
      %dma_wait3A_70 = tpu.memref_squeeze %dma_wait3A_69 : memref<1x632x128xf32, #tpu.memory_space<hbm>> -> memref<632x128xf32, #tpu.memory_space<hbm>>
      %dma_wait3A_71 = arith.constant 0 : i32
      %dma_wait3A_72 = tpu.memref_slice %arg10[%mul3A_59, %dma_wait3A_71] : memref<10112x128xf32, #tpu.memory_space<vmem_shared>> -> memref<632x128xf32, #tpu.memory_space<vmem_shared>>
      tpu.wait_dma2 semaphore(%run_scoped3A_62 : memref<!tpu.dma_semaphore, #tpu.memory_space<semaphore_mem>>) src(%dma_wait3A_72 : memref<632x128xf32, #tpu.memory_space<vmem_shared>>) dst(%dma_wait3A_70 : memref<632x128xf32, #tpu.memory_space<hbm>>)
      tpu.yield
    }) : () -> ()
    return
  }
}

#map = affine_map<(d0, d1) -> (0, 0, 0)>
module attributes {stable_mosaic.version = 14 : i64} {
  func.func @k(%arg0: i32, %arg1: i32, %arg2: memref<32x100x100xi32, #tpu.memory_space<hbm>>, %arg3: memref<2x10112x16xf32, #tpu.memory_space<hbm>>, %arg4: memref<100x100xi32, #tpu.memory_space<vmem>>, %arg5: memref<100x16xf32, #tpu.memory_space<vmem>>, %arg6: memref<96x16xf32, #tpu.memory_space<vmem>>, %arg7: memref<10112x16xf32, #tpu.memory_space<vmem_shared>>, %arg8: memref<!tpu.dma_semaphore, #tpu.memory_space<semaphore_mem>>) attributes {dimension_semantics = [#tpu.dimension_semantics<core_parallel>, #tpu.dimension_semantics<subcore_parallel>], iteration_bounds = array<i64: 2, 16>, scalar_prefetch = 0 : i64, scratch_operands = 5 : i64, tpu.core_type = #tpu.core_type<sc_vector_subcore>, window_params = [{transform_indices = #map}, {transform_indices = #map}]} {
    %mul3A = arith.constant 2 : i32
    %mul3A_0 = arith.muli %arg1, %mul3A : i32
    %add3A = arith.addi %mul3A_0, %arg0 : i32
    %broadcast_in_dim3A = arith.constant 1.000000e+00 : f32
    %broadcast_in_dim3A_1 = vector.broadcast %broadcast_in_dim3A : f32 to vector<16xf32>
    %scan3A = arith.constant 0 : i32
    %scan3A_2 = arith.constant 0 : i32
    %scan3A_3 = arith.constant 100 : i32
    %scan3A_4 = arith.addi %scan3A_2, %scan3A_3 : i32
    %scan3A_5 = arith.constant 1 : i32
    scf.for %scan3A_49 = %scan3A_2 to %scan3A_4 step %scan3A_5  : i32 {
      %swap3A = arith.index_cast %scan3A_49 : i32 to index
      %swap3A_50 = arith.constant 0 : index
      %swap3A_51 = tpu.vector_load %arg5[%swap3A, %swap3A_50] {strides = array<i32>} : memref<100x16xf32, #tpu.memory_space<vmem>>, vector<16xf32>,
      tpu.vector_store %arg5[%swap3A, %swap3A_50], %broadcast_in_dim3A_1 {strides = array<i32>} : memref<100x16xf32, #tpu.memory_space<vmem>>, vector<16xf32>,
    }
    %scan3A_6 = arith.constant 100 : i32
    %broadcast_in_dim3A_7 = arith.constant 0.000000e+00 : f32
    %broadcast_in_dim3A_8 = vector.broadcast %broadcast_in_dim3A_7 : f32 to vector<16xf32>
    %scan3A_9 = arith.constant 0 : i32
    %scan3A_10 = arith.constant 0 : i32
    %scan3A_11 = arith.constant 96 : i32
    %scan3A_12 = arith.addi %scan3A_10, %scan3A_11 : i32
    %scan3A_13 = arith.constant 1 : i32
    scf.for %scan3A_49 = %scan3A_10 to %scan3A_12 step %scan3A_13  : i32 {
      %jit3A = arith.constant 1 : i32
      %div3A = arith.divsi %scan3A_49, %jit3A : i32
      %sign3A = arith.constant 0 : i32
      %sign3A_50 = arith.cmpi sgt, %scan3A_49, %sign3A : i32
      %sign3A_51 = arith.extui %sign3A_50 : i1 to i32
      %sign3A_52 = arith.constant 0 : i32
      %sign3A_53 = arith.cmpi slt, %scan3A_49, %sign3A_52 : i32
      %sign3A_54 = arith.extui %sign3A_53 : i1 to i32
      %sign3A_55 = arith.subi %sign3A_51, %sign3A_54 : i32
      %sign3A_56 = arith.constant 0 : i32
      %sign3A_57 = arith.cmpi sgt, %jit3A, %sign3A_56 : i32
      %sign3A_58 = arith.extui %sign3A_57 : i1 to i32
      %sign3A_59 = arith.constant 0 : i32
      %sign3A_60 = arith.cmpi slt, %jit3A, %sign3A_59 : i32
      %sign3A_61 = arith.extui %sign3A_60 : i1 to i32
      %sign3A_62 = arith.subi %sign3A_58, %sign3A_61 : i32
      %ne3A = arith.cmpi ne, %sign3A_55, %sign3A_62 : i32
      %rem3A = arith.remsi %scan3A_49, %jit3A : i32
      %ne3A_63 = arith.constant 0 : i32
      %ne3A_64 = arith.cmpi ne, %rem3A, %ne3A_63 : i32
      %and3A = arith.andi %ne3A, %ne3A_64 : i1
      %sub3A_65 = arith.constant 1 : i32
      %sub3A_66 = arith.subi %div3A, %sub3A_65 : i32
      %select_n3A = arith.select %and3A, %sub3A_66, %div3A : i32
      %rem3A_67 = arith.constant 1 : i32
      %rem3A_68 = arith.remsi %scan3A_49, %rem3A_67 : i32
      %mul3A_69 = arith.constant 16 : i32
      %mul3A_70 = arith.muli %rem3A_68, %mul3A_69 : i32
      %swap3A = arith.index_cast %select_n3A : i32 to index
      %swap3A_71 = arith.index_cast %mul3A_70 : i32 to index
      %swap3A_72 = tpu.vector_load %arg6[%swap3A, %swap3A_71] {strides = array<i32>} : memref<96x16xf32, #tpu.memory_space<vmem>>, vector<16xf32>,
      tpu.vector_store %arg6[%swap3A, %swap3A_71], %broadcast_in_dim3A_8 {strides = array<i32>} : memref<96x16xf32, #tpu.memory_space<vmem>>, vector<16xf32>,
    }
    %scan3A_14 = arith.constant 96 : i32
    %mul3A_15 = arith.constant 632 : i32
    %mul3A_16 = arith.muli %arg1, %mul3A_15 : i32
    %add3A_17 = arith.constant 0 : i32
    %add3A_18 = arith.addi %mul3A_16, %add3A_17 : i32
    "tpu.region"() ({
      %run_scoped3A = tpu.sem_alloc : memref<!tpu.dma_semaphore, #tpu.memory_space<semaphore_mem>>
      %dma_start3A = arith.constant 0 : i32
      %dma_start3A_49 = arith.constant 0 : i32
      %dma_start3A_50 = tpu.memref_slice %arg6[%dma_start3A, %dma_start3A_49] : memref<96x16xf32, #tpu.memory_space<vmem>> -> memref<96x16xf32, #tpu.memory_space<vmem>>
      %dma_start3A_51 = arith.constant 0 : i32
      %dma_start3A_52 = tpu.memref_slice %arg7[%add3A_18, %dma_start3A_51] : memref<10112x16xf32, #tpu.memory_space<vmem_shared>> -> memref<96x16xf32, #tpu.memory_space<vmem_shared>>
      %dma_start3A_53 = arith.constant 0 : i32
      %dma_start3A_54 = tpu.memref_slice %arg7[%add3A_18, %dma_start3A_53] : memref<10112x16xf32, #tpu.memory_space<vmem_shared>> -> memref<96x16xf32, #tpu.memory_space<vmem_shared>>
      %dma_start3A_55 = arith.constant 0 : i32
      %dma_start3A_56 = arith.constant 0 : i32
      %dma_start3A_57 = tpu.memref_slice %arg6[%dma_start3A_55, %dma_start3A_56] : memref<96x16xf32, #tpu.memory_space<vmem>> -> memref<96x16xf32, #tpu.memory_space<vmem>>
      tpu.enqueue_dma source(%dma_start3A_57 : memref<96x16xf32, #tpu.memory_space<vmem>>) target(%dma_start3A_54 : memref<96x16xf32, #tpu.memory_space<vmem_shared>>) target_semaphore(%run_scoped3A : memref<!tpu.dma_semaphore, #tpu.memory_space<semaphore_mem>>)
      %dma_wait3A = arith.constant 0 : i32
      %dma_wait3A_58 = arith.constant 0 : i32
      %dma_wait3A_59 = tpu.memref_slice %arg6[%dma_wait3A, %dma_wait3A_58] : memref<96x16xf32, #tpu.memory_space<vmem>> -> memref<96x16xf32, #tpu.memory_space<vmem>>
      %dma_wait3A_60 = arith.constant 0 : i32
      %dma_wait3A_61 = tpu.memref_slice %arg7[%add3A_18, %dma_wait3A_60] : memref<10112x16xf32, #tpu.memory_space<vmem_shared>> -> memref<96x16xf32, #tpu.memory_space<vmem_shared>>
      %dma_wait3A_62 = arith.constant 0 : i32
      %dma_wait3A_63 = tpu.memref_slice %arg7[%add3A_18, %dma_wait3A_62] : memref<10112x16xf32, #tpu.memory_space<vmem_shared>> -> memref<96x16xf32, #tpu.memory_space<vmem_shared>>
      %dma_wait3A_64 = arith.constant 0 : i32
      %dma_wait3A_65 = arith.constant 0 : i32
      %dma_wait3A_66 = tpu.memref_slice %arg6[%dma_wait3A_64, %dma_wait3A_65] : memref<96x16xf32, #tpu.memory_space<vmem>> -> memref<96x16xf32, #tpu.memory_space<vmem>>
      tpu.wait_dma2 semaphore(%run_scoped3A : memref<!tpu.dma_semaphore, #tpu.memory_space<semaphore_mem>>) src(%dma_wait3A_66 : memref<96x16xf32, #tpu.memory_space<vmem>>) dst(%dma_wait3A_63 : memref<96x16xf32, #tpu.memory_space<vmem_shared>>)
      tpu.yield
    }) : () -> ()
    %add3A_19 = arith.constant 96 : i32
    %add3A_20 = arith.addi %mul3A_16, %add3A_19 : i32
    "tpu.region"() ({
      %run_scoped3A = tpu.sem_alloc : memref<!tpu.dma_semaphore, #tpu.memory_space<semaphore_mem>>
      %dma_start3A = arith.constant 0 : i32
      %dma_start3A_49 = arith.constant 0 : i32
      %dma_start3A_50 = tpu.memref_slice %arg6[%dma_start3A, %dma_start3A_49] : memref<96x16xf32, #tpu.memory_space<vmem>> -> memref<96x16xf32, #tpu.memory_space<vmem>>
      %dma_start3A_51 = arith.constant 0 : i32
      %dma_start3A_52 = tpu.memref_slice %arg7[%add3A_20, %dma_start3A_51] : memref<10112x16xf32, #tpu.memory_space<vmem_shared>> -> memref<96x16xf32, #tpu.memory_space<vmem_shared>>
      %dma_start3A_53 = arith.constant 0 : i32
      %dma_start3A_54 = tpu.memref_slice %arg7[%add3A_20, %dma_start3A_53] : memref<10112x16xf32, #tpu.memory_space<vmem_shared>> -> memref<96x16xf32, #tpu.memory_space<vmem_shared>>
      %dma_start3A_55 = arith.constant 0 : i32
      %dma_start3A_56 = arith.constant 0 : i32
      %dma_start3A_57 = tpu.memref_slice %arg6[%dma_start3A_55, %dma_start3A_56] : memref<96x16xf32, #tpu.memory_space<vmem>> -> memref<96x16xf32, #tpu.memory_space<vmem>>
      tpu.enqueue_dma source(%dma_start3A_57 : memref<96x16xf32, #tpu.memory_space<vmem>>) target(%dma_start3A_54 : memref<96x16xf32, #tpu.memory_space<vmem_shared>>) target_semaphore(%run_scoped3A : memref<!tpu.dma_semaphore, #tpu.memory_space<semaphore_mem>>)
      %dma_wait3A = arith.constant 0 : i32
      %dma_wait3A_58 = arith.constant 0 : i32
      %dma_wait3A_59 = tpu.memref_slice %arg6[%dma_wait3A, %dma_wait3A_58] : memref<96x16xf32, #tpu.memory_space<vmem>> -> memref<96x16xf32, #tpu.memory_space<vmem>>
      %dma_wait3A_60 = arith.constant 0 : i32
      %dma_wait3A_61 = tpu.memref_slice %arg7[%add3A_20, %dma_wait3A_60] : memref<10112x16xf32, #tpu.memory_space<vmem_shared>> -> memref<96x16xf32, #tpu.memory_space<vmem_shared>>
      %dma_wait3A_62 = arith.constant 0 : i32
      %dma_wait3A_63 = tpu.memref_slice %arg7[%add3A_20, %dma_wait3A_62] : memref<10112x16xf32, #tpu.memory_space<vmem_shared>> -> memref<96x16xf32, #tpu.memory_space<vmem_shared>>
      %dma_wait3A_64 = arith.constant 0 : i32
      %dma_wait3A_65 = arith.constant 0 : i32
      %dma_wait3A_66 = tpu.memref_slice %arg6[%dma_wait3A_64, %dma_wait3A_65] : memref<96x16xf32, #tpu.memory_space<vmem>> -> memref<96x16xf32, #tpu.memory_space<vmem>>
      tpu.wait_dma2 semaphore(%run_scoped3A : memref<!tpu.dma_semaphore, #tpu.memory_space<semaphore_mem>>) src(%dma_wait3A_66 : memref<96x16xf32, #tpu.memory_space<vmem>>) dst(%dma_wait3A_63 : memref<96x16xf32, #tpu.memory_space<vmem_shared>>)
      tpu.yield
    }) : () -> ()
    %add3A_21 = arith.constant 192 : i32
    %add3A_22 = arith.addi %mul3A_16, %add3A_21 : i32
    "tpu.region"() ({
      %run_scoped3A = tpu.sem_alloc : memref<!tpu.dma_semaphore, #tpu.memory_space<semaphore_mem>>
      %dma_start3A = arith.constant 0 : i32
      %dma_start3A_49 = arith.constant 0 : i32
      %dma_start3A_50 = tpu.memref_slice %arg6[%dma_start3A, %dma_start3A_49] : memref<96x16xf32, #tpu.memory_space<vmem>> -> memref<96x16xf32, #tpu.memory_space<vmem>>
      %dma_start3A_51 = arith.constant 0 : i32
      %dma_start3A_52 = tpu.memref_slice %arg7[%add3A_22, %dma_start3A_51] : memref<10112x16xf32, #tpu.memory_space<vmem_shared>> -> memref<96x16xf32, #tpu.memory_space<vmem_shared>>
      %dma_start3A_53 = arith.constant 0 : i32
      %dma_start3A_54 = tpu.memref_slice %arg7[%add3A_22, %dma_start3A_53] : memref<10112x16xf32, #tpu.memory_space<vmem_shared>> -> memref<96x16xf32, #tpu.memory_space<vmem_shared>>
      %dma_start3A_55 = arith.constant 0 : i32
      %dma_start3A_56 = arith.constant 0 : i32
      %dma_start3A_57 = tpu.memref_slice %arg6[%dma_start3A_55, %dma_start3A_56] : memref<96x16xf32, #tpu.memory_space<vmem>> -> memref<96x16xf32, #tpu.memory_space<vmem>>
      tpu.enqueue_dma source(%dma_start3A_57 : memref<96x16xf32, #tpu.memory_space<vmem>>) target(%dma_start3A_54 : memref<96x16xf32, #tpu.memory_space<vmem_shared>>) target_semaphore(%run_scoped3A : memref<!tpu.dma_semaphore, #tpu.memory_space<semaphore_mem>>)
      %dma_wait3A = arith.constant 0 : i32
      %dma_wait3A_58 = arith.constant 0 : i32
      %dma_wait3A_59 = tpu.memref_slice %arg6[%dma_wait3A, %dma_wait3A_58] : memref<96x16xf32, #tpu.memory_space<vmem>> -> memref<96x16xf32, #tpu.memory_space<vmem>>
      %dma_wait3A_60 = arith.constant 0 : i32
      %dma_wait3A_61 = tpu.memref_slice %arg7[%add3A_22, %dma_wait3A_60] : memref<10112x16xf32, #tpu.memory_space<vmem_shared>> -> memref<96x16xf32, #tpu.memory_space<vmem_shared>>
      %dma_wait3A_62 = arith.constant 0 : i32
      %dma_wait3A_63 = tpu.memref_slice %arg7[%add3A_22, %dma_wait3A_62] : memref<10112x16xf32, #tpu.memory_space<vmem_shared>> -> memref<96x16xf32, #tpu.memory_space<vmem_shared>>
      %dma_wait3A_64 = arith.constant 0 : i32
      %dma_wait3A_65 = arith.constant 0 : i32
      %dma_wait3A_66 = tpu.memref_slice %arg6[%dma_wait3A_64, %dma_wait3A_65] : memref<96x16xf32, #tpu.memory_space<vmem>> -> memref<96x16xf32, #tpu.memory_space<vmem>>
      tpu.wait_dma2 semaphore(%run_scoped3A : memref<!tpu.dma_semaphore, #tpu.memory_space<semaphore_mem>>) src(%dma_wait3A_66 : memref<96x16xf32, #tpu.memory_space<vmem>>) dst(%dma_wait3A_63 : memref<96x16xf32, #tpu.memory_space<vmem_shared>>)
      tpu.yield
    }) : () -> ()
    %add3A_23 = arith.constant 288 : i32
    %add3A_24 = arith.addi %mul3A_16, %add3A_23 : i32
    "tpu.region"() ({
      %run_scoped3A = tpu.sem_alloc : memref<!tpu.dma_semaphore, #tpu.memory_space<semaphore_mem>>
      %dma_start3A = arith.constant 0 : i32
      %dma_start3A_49 = arith.constant 0 : i32
      %dma_start3A_50 = tpu.memref_slice %arg6[%dma_start3A, %dma_start3A_49] : memref<96x16xf32, #tpu.memory_space<vmem>> -> memref<96x16xf32, #tpu.memory_space<vmem>>
      %dma_start3A_51 = arith.constant 0 : i32
      %dma_start3A_52 = tpu.memref_slice %arg7[%add3A_24, %dma_start3A_51] : memref<10112x16xf32, #tpu.memory_space<vmem_shared>> -> memref<96x16xf32, #tpu.memory_space<vmem_shared>>
      %dma_start3A_53 = arith.constant 0 : i32
      %dma_start3A_54 = tpu.memref_slice %arg7[%add3A_24, %dma_start3A_53] : memref<10112x16xf32, #tpu.memory_space<vmem_shared>> -> memref<96x16xf32, #tpu.memory_space<vmem_shared>>
      %dma_start3A_55 = arith.constant 0 : i32
      %dma_start3A_56 = arith.constant 0 : i32
      %dma_start3A_57 = tpu.memref_slice %arg6[%dma_start3A_55, %dma_start3A_56] : memref<96x16xf32, #tpu.memory_space<vmem>> -> memref<96x16xf32, #tpu.memory_space<vmem>>
      tpu.enqueue_dma source(%dma_start3A_57 : memref<96x16xf32, #tpu.memory_space<vmem>>) target(%dma_start3A_54 : memref<96x16xf32, #tpu.memory_space<vmem_shared>>) target_semaphore(%run_scoped3A : memref<!tpu.dma_semaphore, #tpu.memory_space<semaphore_mem>>)
      %dma_wait3A = arith.constant 0 : i32
      %dma_wait3A_58 = arith.constant 0 : i32
      %dma_wait3A_59 = tpu.memref_slice %arg6[%dma_wait3A, %dma_wait3A_58] : memref<96x16xf32, #tpu.memory_space<vmem>> -> memref<96x16xf32, #tpu.memory_space<vmem>>
      %dma_wait3A_60 = arith.constant 0 : i32
      %dma_wait3A_61 = tpu.memref_slice %arg7[%add3A_24, %dma_wait3A_60] : memref<10112x16xf32, #tpu.memory_space<vmem_shared>> -> memref<96x16xf32, #tpu.memory_space<vmem_shared>>
      %dma_wait3A_62 = arith.constant 0 : i32
      %dma_wait3A_63 = tpu.memref_slice %arg7[%add3A_24, %dma_wait3A_62] : memref<10112x16xf32, #tpu.memory_space<vmem_shared>> -> memref<96x16xf32, #tpu.memory_space<vmem_shared>>
      %dma_wait3A_64 = arith.constant 0 : i32
      %dma_wait3A_65 = arith.constant 0 : i32
      %dma_wait3A_66 = tpu.memref_slice %arg6[%dma_wait3A_64, %dma_wait3A_65] : memref<96x16xf32, #tpu.memory_space<vmem>> -> memref<96x16xf32, #tpu.memory_space<vmem>>
      tpu.wait_dma2 semaphore(%run_scoped3A : memref<!tpu.dma_semaphore, #tpu.memory_space<semaphore_mem>>) src(%dma_wait3A_66 : memref<96x16xf32, #tpu.memory_space<vmem>>) dst(%dma_wait3A_63 : memref<96x16xf32, #tpu.memory_space<vmem_shared>>)
      tpu.yield
    }) : () -> ()
    %add3A_25 = arith.constant 384 : i32
    %add3A_26 = arith.addi %mul3A_16, %add3A_25 : i32
    "tpu.region"() ({
      %run_scoped3A = tpu.sem_alloc : memref<!tpu.dma_semaphore, #tpu.memory_space<semaphore_mem>>
      %dma_start3A = arith.constant 0 : i32
      %dma_start3A_49 = arith.constant 0 : i32
      %dma_start3A_50 = tpu.memref_slice %arg6[%dma_start3A, %dma_start3A_49] : memref<96x16xf32, #tpu.memory_space<vmem>> -> memref<96x16xf32, #tpu.memory_space<vmem>>
      %dma_start3A_51 = arith.constant 0 : i32
      %dma_start3A_52 = tpu.memref_slice %arg7[%add3A_26, %dma_start3A_51] : memref<10112x16xf32, #tpu.memory_space<vmem_shared>> -> memref<96x16xf32, #tpu.memory_space<vmem_shared>>
      %dma_start3A_53 = arith.constant 0 : i32
      %dma_start3A_54 = tpu.memref_slice %arg7[%add3A_26, %dma_start3A_53] : memref<10112x16xf32, #tpu.memory_space<vmem_shared>> -> memref<96x16xf32, #tpu.memory_space<vmem_shared>>
      %dma_start3A_55 = arith.constant 0 : i32
      %dma_start3A_56 = arith.constant 0 : i32
      %dma_start3A_57 = tpu.memref_slice %arg6[%dma_start3A_55, %dma_start3A_56] : memref<96x16xf32, #tpu.memory_space<vmem>> -> memref<96x16xf32, #tpu.memory_space<vmem>>
      tpu.enqueue_dma source(%dma_start3A_57 : memref<96x16xf32, #tpu.memory_space<vmem>>) target(%dma_start3A_54 : memref<96x16xf32, #tpu.memory_space<vmem_shared>>) target_semaphore(%run_scoped3A : memref<!tpu.dma_semaphore, #tpu.memory_space<semaphore_mem>>)
      %dma_wait3A = arith.constant 0 : i32
      %dma_wait3A_58 = arith.constant 0 : i32
      %dma_wait3A_59 = tpu.memref_slice %arg6[%dma_wait3A, %dma_wait3A_58] : memref<96x16xf32, #tpu.memory_space<vmem>> -> memref<96x16xf32, #tpu.memory_space<vmem>>
      %dma_wait3A_60 = arith.constant 0 : i32
      %dma_wait3A_61 = tpu.memref_slice %arg7[%add3A_26, %dma_wait3A_60] : memref<10112x16xf32, #tpu.memory_space<vmem_shared>> -> memref<96x16xf32, #tpu.memory_space<vmem_shared>>
      %dma_wait3A_62 = arith.constant 0 : i32
      %dma_wait3A_63 = tpu.memref_slice %arg7[%add3A_26, %dma_wait3A_62] : memref<10112x16xf32, #tpu.memory_space<vmem_shared>> -> memref<96x16xf32, #tpu.memory_space<vmem_shared>>
      %dma_wait3A_64 = arith.constant 0 : i32
      %dma_wait3A_65 = arith.constant 0 : i32
      %dma_wait3A_66 = tpu.memref_slice %arg6[%dma_wait3A_64, %dma_wait3A_65] : memref<96x16xf32, #tpu.memory_space<vmem>> -> memref<96x16xf32, #tpu.memory_space<vmem>>
      tpu.wait_dma2 semaphore(%run_scoped3A : memref<!tpu.dma_semaphore, #tpu.memory_space<semaphore_mem>>) src(%dma_wait3A_66 : memref<96x16xf32, #tpu.memory_space<vmem>>) dst(%dma_wait3A_63 : memref<96x16xf32, #tpu.memory_space<vmem_shared>>)
      tpu.yield
    }) : () -> ()
    %add3A_27 = arith.constant 480 : i32
    %add3A_28 = arith.addi %mul3A_16, %add3A_27 : i32
    "tpu.region"() ({
      %run_scoped3A = tpu.sem_alloc : memref<!tpu.dma_semaphore, #tpu.memory_space<semaphore_mem>>
      %dma_start3A = arith.constant 0 : i32
      %dma_start3A_49 = arith.constant 0 : i32
      %dma_start3A_50 = tpu.memref_slice %arg6[%dma_start3A, %dma_start3A_49] : memref<96x16xf32, #tpu.memory_space<vmem>> -> memref<96x16xf32, #tpu.memory_space<vmem>>
      %dma_start3A_51 = arith.constant 0 : i32
      %dma_start3A_52 = tpu.memref_slice %arg7[%add3A_28, %dma_start3A_51] : memref<10112x16xf32, #tpu.memory_space<vmem_shared>> -> memref<96x16xf32, #tpu.memory_space<vmem_shared>>
      %dma_start3A_53 = arith.constant 0 : i32
      %dma_start3A_54 = tpu.memref_slice %arg7[%add3A_28, %dma_start3A_53] : memref<10112x16xf32, #tpu.memory_space<vmem_shared>> -> memref<96x16xf32, #tpu.memory_space<vmem_shared>>
      %dma_start3A_55 = arith.constant 0 : i32
      %dma_start3A_56 = arith.constant 0 : i32
      %dma_start3A_57 = tpu.memref_slice %arg6[%dma_start3A_55, %dma_start3A_56] : memref<96x16xf32, #tpu.memory_space<vmem>> -> memref<96x16xf32, #tpu.memory_space<vmem>>
      tpu.enqueue_dma source(%dma_start3A_57 : memref<96x16xf32, #tpu.memory_space<vmem>>) target(%dma_start3A_54 : memref<96x16xf32, #tpu.memory_space<vmem_shared>>) target_semaphore(%run_scoped3A : memref<!tpu.dma_semaphore, #tpu.memory_space<semaphore_mem>>)
      %dma_wait3A = arith.constant 0 : i32
      %dma_wait3A_58 = arith.constant 0 : i32
      %dma_wait3A_59 = tpu.memref_slice %arg6[%dma_wait3A, %dma_wait3A_58] : memref<96x16xf32, #tpu.memory_space<vmem>> -> memref<96x16xf32, #tpu.memory_space<vmem>>
      %dma_wait3A_60 = arith.constant 0 : i32
      %dma_wait3A_61 = tpu.memref_slice %arg7[%add3A_28, %dma_wait3A_60] : memref<10112x16xf32, #tpu.memory_space<vmem_shared>> -> memref<96x16xf32, #tpu.memory_space<vmem_shared>>
      %dma_wait3A_62 = arith.constant 0 : i32
      %dma_wait3A_63 = tpu.memref_slice %arg7[%add3A_28, %dma_wait3A_62] : memref<10112x16xf32, #tpu.memory_space<vmem_shared>> -> memref<96x16xf32, #tpu.memory_space<vmem_shared>>
      %dma_wait3A_64 = arith.constant 0 : i32
      %dma_wait3A_65 = arith.constant 0 : i32
      %dma_wait3A_66 = tpu.memref_slice %arg6[%dma_wait3A_64, %dma_wait3A_65] : memref<96x16xf32, #tpu.memory_space<vmem>> -> memref<96x16xf32, #tpu.memory_space<vmem>>
      tpu.wait_dma2 semaphore(%run_scoped3A : memref<!tpu.dma_semaphore, #tpu.memory_space<semaphore_mem>>) src(%dma_wait3A_66 : memref<96x16xf32, #tpu.memory_space<vmem>>) dst(%dma_wait3A_63 : memref<96x16xf32, #tpu.memory_space<vmem_shared>>)
      tpu.yield
    }) : () -> ()
    %add3A_29 = arith.constant 632 : i32
    %add3A_30 = arith.addi %mul3A_16, %add3A_29 : i32
    %sub3A = arith.constant 56 : i32
    %sub3A_31 = arith.subi %add3A_30, %sub3A : i32
    "tpu.region"() ({
      %run_scoped3A = tpu.sem_alloc : memref<!tpu.dma_semaphore, #tpu.memory_space<semaphore_mem>>
      %dma_start3A = arith.constant 0 : i32
      %dma_start3A_49 = arith.constant 0 : i32
      %dma_start3A_50 = tpu.memref_slice %arg6[%dma_start3A, %dma_start3A_49] : memref<96x16xf32, #tpu.memory_space<vmem>> -> memref<56x16xf32, #tpu.memory_space<vmem>>
      %dma_start3A_51 = arith.constant 0 : i32
      %dma_start3A_52 = tpu.memref_slice %arg7[%sub3A_31, %dma_start3A_51] : memref<10112x16xf32, #tpu.memory_space<vmem_shared>> -> memref<56x16xf32, #tpu.memory_space<vmem_shared>>
      %dma_start3A_53 = arith.constant 0 : i32
      %dma_start3A_54 = tpu.memref_slice %arg7[%sub3A_31, %dma_start3A_53] : memref<10112x16xf32, #tpu.memory_space<vmem_shared>> -> memref<56x16xf32, #tpu.memory_space<vmem_shared>>
      %dma_start3A_55 = arith.constant 0 : i32
      %dma_start3A_56 = arith.constant 0 : i32
      %dma_start3A_57 = tpu.memref_slice %arg6[%dma_start3A_55, %dma_start3A_56] : memref<96x16xf32, #tpu.memory_space<vmem>> -> memref<56x16xf32, #tpu.memory_space<vmem>>
      tpu.enqueue_dma source(%dma_start3A_57 : memref<56x16xf32, #tpu.memory_space<vmem>>) target(%dma_start3A_54 : memref<56x16xf32, #tpu.memory_space<vmem_shared>>) target_semaphore(%run_scoped3A : memref<!tpu.dma_semaphore, #tpu.memory_space<semaphore_mem>>)
      %dma_wait3A = arith.constant 0 : i32
      %dma_wait3A_58 = arith.constant 0 : i32
      %dma_wait3A_59 = tpu.memref_slice %arg6[%dma_wait3A, %dma_wait3A_58] : memref<96x16xf32, #tpu.memory_space<vmem>> -> memref<56x16xf32, #tpu.memory_space<vmem>>
      %dma_wait3A_60 = arith.constant 0 : i32
      %dma_wait3A_61 = tpu.memref_slice %arg7[%sub3A_31, %dma_wait3A_60] : memref<10112x16xf32, #tpu.memory_space<vmem_shared>> -> memref<56x16xf32, #tpu.memory_space<vmem_shared>>
      %dma_wait3A_62 = arith.constant 0 : i32
      %dma_wait3A_63 = tpu.memref_slice %arg7[%sub3A_31, %dma_wait3A_62] : memref<10112x16xf32, #tpu.memory_space<vmem_shared>> -> memref<56x16xf32, #tpu.memory_space<vmem_shared>>
      %dma_wait3A_64 = arith.constant 0 : i32
      %dma_wait3A_65 = arith.constant 0 : i32
      %dma_wait3A_66 = tpu.memref_slice %arg6[%dma_wait3A_64, %dma_wait3A_65] : memref<96x16xf32, #tpu.memory_space<vmem>> -> memref<56x16xf32, #tpu.memory_space<vmem>>
      tpu.wait_dma2 semaphore(%run_scoped3A : memref<!tpu.dma_semaphore, #tpu.memory_space<semaphore_mem>>) src(%dma_wait3A_66 : memref<56x16xf32, #tpu.memory_space<vmem>>) dst(%dma_wait3A_63 : memref<56x16xf32, #tpu.memory_space<vmem_shared>>)
      tpu.yield
    }) : () -> ()
    "tpu.region"() ({
      %run_scoped3A = tpu.sem_alloc : memref<!tpu.dma_semaphore, #tpu.memory_space<semaphore_mem>>
      %dma_start3A = arith.constant 0 : i32
      %dma_start3A_49 = arith.constant 0 : i32
      %dma_start3A_50 = tpu.memref_slice %arg2[%add3A, %dma_start3A, %dma_start3A_49] : memref<32x100x100xi32, #tpu.memory_space<hbm>> -> memref<1x100x100xi32, #tpu.memory_space<hbm>>
      %dma_start3A_51 = tpu.memref_squeeze %dma_start3A_50 : memref<1x100x100xi32, #tpu.memory_space<hbm>> -> memref<100x100xi32, #tpu.memory_space<hbm>>
      %dma_start3A_52 = arith.constant 0 : i32
      %dma_start3A_53 = arith.constant 0 : i32
      %dma_start3A_54 = tpu.memref_slice %arg2[%add3A, %dma_start3A_52, %dma_start3A_53] : memref<32x100x100xi32, #tpu.memory_space<hbm>> -> memref<1x100x100xi32, #tpu.memory_space<hbm>>
      %dma_start3A_55 = tpu.memref_squeeze %dma_start3A_54 : memref<1x100x100xi32, #tpu.memory_space<hbm>> -> memref<100x100xi32, #tpu.memory_space<hbm>>
      tpu.enqueue_dma source(%dma_start3A_55 : memref<100x100xi32, #tpu.memory_space<hbm>>) target(%arg4 : memref<100x100xi32, #tpu.memory_space<vmem>>) target_semaphore(%run_scoped3A : memref<!tpu.dma_semaphore, #tpu.memory_space<semaphore_mem>>)
      %dma_wait3A = arith.constant 0 : i32
      %dma_wait3A_56 = arith.constant 0 : i32
      %dma_wait3A_57 = tpu.memref_slice %arg2[%add3A, %dma_wait3A, %dma_wait3A_56] : memref<32x100x100xi32, #tpu.memory_space<hbm>> -> memref<1x100x100xi32, #tpu.memory_space<hbm>>
      %dma_wait3A_58 = tpu.memref_squeeze %dma_wait3A_57 : memref<1x100x100xi32, #tpu.memory_space<hbm>> -> memref<100x100xi32, #tpu.memory_space<hbm>>
      %dma_wait3A_59 = arith.constant 0 : i32
      %dma_wait3A_60 = arith.constant 0 : i32
      %dma_wait3A_61 = tpu.memref_slice %arg2[%add3A, %dma_wait3A_59, %dma_wait3A_60] : memref<32x100x100xi32, #tpu.memory_space<hbm>> -> memref<1x100x100xi32, #tpu.memory_space<hbm>>
      %dma_wait3A_62 = tpu.memref_squeeze %dma_wait3A_61 : memref<1x100x100xi32, #tpu.memory_space<hbm>> -> memref<100x100xi32, #tpu.memory_space<hbm>>
      tpu.wait_dma2 semaphore(%run_scoped3A : memref<!tpu.dma_semaphore, #tpu.memory_space<semaphore_mem>>) src(%dma_wait3A_62 : memref<100x100xi32, #tpu.memory_space<hbm>>) dst(%arg4 : memref<100x100xi32, #tpu.memory_space<vmem>>)
      tpu.yield
    }) : () -> ()
    %barrier3A = arith.constant 0 : index
    tpu.barrier barrier_id(%barrier3A)
    %scan3A_32 = arith.constant 0 : i32
    %scan3A_33 = arith.constant 0 : i32
    %scan3A_34 = arith.constant 100 : i32
    %scan3A_35 = arith.addi %scan3A_33, %scan3A_34 : i32
    %scan3A_36 = arith.constant 1 : i32
    scf.for %scan3A_49 = %scan3A_33 to %scan3A_35 step %scan3A_36  : i32 {
      %dma_start3A = arith.constant 0 : i32
      %dma_start3A_50 = tpu.memref_slice %arg4[%scan3A_49, %dma_start3A] : memref<100x100xi32, #tpu.memory_space<vmem>> -> memref<1x100xi32, #tpu.memory_space<vmem>>
      %dma_start3A_51 = tpu.memref_squeeze %dma_start3A_50 : memref<1x100xi32, #tpu.memory_space<vmem>> -> memref<100xi32, #tpu.memory_space<vmem>>
      %dma_start3A_52 = arith.constant 0 : i32
      %dma_start3A_53 = arith.constant 0 : i32
      %dma_start3A_54 = tpu.memref_slice %arg7[%dma_start3A_52, %dma_start3A_53] : memref<10112x16xf32, #tpu.memory_space<vmem_shared>> -> memref<10112x16xf32, #tpu.memory_space<vmem_shared>>
      tpu.enqueue_indirect_dma source(%arg5 : memref<100x16xf32, #tpu.memory_space<vmem>>) target(%dma_start3A_54 : memref<10112x16xf32, #tpu.memory_space<vmem_shared>>) offsets(%dma_start3A_51 : memref<100xi32, #tpu.memory_space<vmem>>) semaphore(%arg8 : memref<!tpu.dma_semaphore, #tpu.memory_space<semaphore_mem>>) {add = true}
    }
    %scan3A_37 = arith.constant 100 : i32
    %scan3A_38 = arith.constant 0 : i32
    %scan3A_39 = arith.constant 0 : i32
    %scan3A_40 = arith.constant 100 : i32
    %scan3A_41 = arith.addi %scan3A_39, %scan3A_40 : i32
    %scan3A_42 = arith.constant 1 : i32
    scf.for %scan3A_49 = %scan3A_39 to %scan3A_41 step %scan3A_42  : i32 {
      %dma_wait3A = arith.constant 0 : i32
      %dma_wait3A_50 = tpu.memref_slice %arg4[%scan3A_49, %dma_wait3A] : memref<100x100xi32, #tpu.memory_space<vmem>> -> memref<1x100xi32, #tpu.memory_space<vmem>>
      %dma_wait3A_51 = tpu.memref_squeeze %dma_wait3A_50 : memref<1x100xi32, #tpu.memory_space<vmem>> -> memref<100xi32, #tpu.memory_space<vmem>>
      %dma_wait3A_52 = arith.constant 0 : i32
      %dma_wait3A_53 = arith.constant 0 : i32
      %dma_wait3A_54 = tpu.memref_slice %arg7[%dma_wait3A_52, %dma_wait3A_53] : memref<10112x16xf32, #tpu.memory_space<vmem_shared>> -> memref<10112x16xf32, #tpu.memory_space<vmem_shared>>
      tpu.wait_indirect_dma semaphore(%arg8 : memref<!tpu.dma_semaphore, #tpu.memory_space<semaphore_mem>>) src(%arg5 : memref<100x16xf32, #tpu.memory_space<vmem>>) dst(%dma_wait3A_54 : memref<10112x16xf32, #tpu.memory_space<vmem_shared>>)
    }
    %scan3A_43 = arith.constant 100 : i32
    %barrier3A_44 = arith.constant 0 : index
    tpu.barrier barrier_id(%barrier3A_44)
    %mul3A_45 = arith.constant 632 : i32
    %mul3A_46 = arith.muli %arg1, %mul3A_45 : i32
    %mul3A_47 = arith.constant 632 : i32
    %mul3A_48 = arith.muli %arg1, %mul3A_47 : i32
    "tpu.region"() ({
      %run_scoped3A = tpu.sem_alloc : memref<!tpu.dma_semaphore, #tpu.memory_space<semaphore_mem>>
      %dma_start3A = arith.constant 0 : i32
      %dma_start3A_49 = tpu.memref_slice %arg3[%arg0, %mul3A_48, %dma_start3A] : memref<2x10112x16xf32, #tpu.memory_space<hbm>> -> memref<1x632x16xf32, #tpu.memory_space<hbm>>
      %dma_start3A_50 = tpu.memref_squeeze %dma_start3A_49 : memref<1x632x16xf32, #tpu.memory_space<hbm>> -> memref<632x16xf32, #tpu.memory_space<hbm>>
      %dma_start3A_51 = arith.constant 0 : i32
      %dma_start3A_52 = tpu.memref_slice %arg7[%mul3A_46, %dma_start3A_51] : memref<10112x16xf32, #tpu.memory_space<vmem_shared>> -> memref<632x16xf32, #tpu.memory_space<vmem_shared>>
      tpu.enqueue_dma source(%dma_start3A_52 : memref<632x16xf32, #tpu.memory_space<vmem_shared>>) target(%dma_start3A_50 : memref<632x16xf32, #tpu.memory_space<hbm>>) target_semaphore(%run_scoped3A : memref<!tpu.dma_semaphore, #tpu.memory_space<semaphore_mem>>)
      %dma_wait3A = arith.constant 0 : i32
      %dma_wait3A_53 = tpu.memref_slice %arg3[%arg0, %mul3A_48, %dma_wait3A] : memref<2x10112x16xf32, #tpu.memory_space<hbm>> -> memref<1x632x16xf32, #tpu.memory_space<hbm>>
      %dma_wait3A_54 = tpu.memref_squeeze %dma_wait3A_53 : memref<1x632x16xf32, #tpu.memory_space<hbm>> -> memref<632x16xf32, #tpu.memory_space<hbm>>
      %dma_wait3A_55 = arith.constant 0 : i32
      %dma_wait3A_56 = tpu.memref_slice %arg7[%mul3A_46, %dma_wait3A_55] : memref<10112x16xf32, #tpu.memory_space<vmem_shared>> -> memref<632x16xf32, #tpu.memory_space<vmem_shared>>
      tpu.wait_dma2 semaphore(%run_scoped3A : memref<!tpu.dma_semaphore, #tpu.memory_space<semaphore_mem>>) src(%dma_wait3A_56 : memref<632x16xf32, #tpu.memory_space<vmem_shared>>) dst(%dma_wait3A_54 : memref<632x16xf32, #tpu.memory_space<hbm>>)
      tpu.yield
    }) : () -> ()
    return
  }
}

module attributes {stable_mosaic.version = 14 : i64} {
  func.func @body(%arg0: memref<2x10112x128xf32, #tpu.memory_space<vmem>>, %arg1: memref<2x10112x16xf32, #tpu.memory_space<vmem>>, %arg2: memref<128x128xf32, #tpu.memory_space<vmem>>, %arg3: memref<1x128xf32, #tpu.memory_space<vmem>>, %arg4: memref<1x128xf32, #tpu.memory_space<vmem>>, %arg5: memref<10000x128xf32, #tpu.memory_space<vmem>>) attributes {dimension_semantics = [], scalar_prefetch = 0 : i64, scratch_operands = 0 : i64, tpu.core_type = #tpu.core_type<tc>} {
    %get3A = arith.constant 0 : index
    %get3A_0 = arith.constant 0 : index
    %get3A_1 = arith.constant 0 : index
    %get3A_2 = vector.load %arg0[%get3A, %get3A_0, %get3A_1] : memref<2x10112x128xf32, #tpu.memory_space<vmem>>, vector<1x10000x128xf32>
    %get3A_3 = vector.shape_cast %get3A_2 : vector<1x10000x128xf32> to vector<10000x128xf32>
    %get3A_4 = arith.constant 1 : index
    %get3A_5 = arith.constant 0 : index
    %get3A_6 = arith.constant 0 : index
    %get3A_7 = vector.load %arg0[%get3A_4, %get3A_5, %get3A_6] : memref<2x10112x128xf32, #tpu.memory_space<vmem>>, vector<1x10000x128xf32>
    %get3A_8 = vector.shape_cast %get3A_7 : vector<1x10000x128xf32> to vector<10000x128xf32>
    %add3A = arith.addf %get3A_3, %get3A_8 : vector<10000x128xf32>
    %get3A_9 = arith.constant 0 : index
    %get3A_10 = arith.constant 0 : index
    %get3A_11 = arith.constant 0 : index
    %get3A_12 = vector.load %arg1[%get3A_9, %get3A_10, %get3A_11] : memref<2x10112x16xf32, #tpu.memory_space<vmem>>, vector<1x10000x1xf32>
    %get3A_13 = vector.shape_cast %get3A_12 : vector<1x10000x1xf32> to vector<10000x1xf32>
    %get3A_14 = arith.constant 1 : index
    %get3A_15 = arith.constant 0 : index
    %get3A_16 = arith.constant 0 : index
    %get3A_17 = vector.load %arg1[%get3A_14, %get3A_15, %get3A_16] : memref<2x10112x16xf32, #tpu.memory_space<vmem>>, vector<1x10000x1xf32>
    %get3A_18 = vector.shape_cast %get3A_17 : vector<1x10000x1xf32> to vector<10000x1xf32>
    %add3A_19 = arith.addf %get3A_13, %get3A_18 : vector<10000x1xf32>
    %max3A = arith.constant 1.000000e+00 : f32
    %max3A_20 = vector.broadcast %max3A : f32 to vector<10000x1xf32>
    %max3A_21 = arith.maximumf %add3A_19, %max3A_20 : vector<10000x1xf32>
    %div3A = vector.broadcast %max3A_21 : vector<10000x1xf32> to vector<10000x128xf32>
    %div3A_22 = arith.divf %add3A, %div3A : vector<10000x128xf32>
    %get3A_23 = arith.constant 0 : index
    %get3A_24 = arith.constant 0 : index
    %get3A_25 = vector.load %arg2[%get3A_23, %get3A_24] : memref<128x128xf32, #tpu.memory_space<vmem>>, vector<128x128xf32>
    %dot_general3A = arith.constant dense<0.000000e+00> : vector<10000x128xf32>
    %dot_general3A_26 = tpu.matmul %div3A_22, %get3A_25, %dot_general3A {dimension_numbers = #tpu.dot_dimension_numbers<[1], [0], [0], [1], [0, 0, 1, 1], [], []>, transpose_lhs_hint = false} : vector<10000x128xf32>, vector<128x128xf32>, vector<10000x128xf32> -> vector<10000x128xf32>
    %gt3A = arith.constant 0.000000e+00 : f32
    %gt3A_27 = vector.broadcast %gt3A : f32 to vector<10000x128xf32>
    %gt3A_28 = arith.cmpf ogt, %dot_general3A_26, %gt3A_27 : vector<10000x128xf32>
    %min3A = arith.constant 0.000000e+00 : f32
    %min3A_29 = vector.broadcast %min3A : f32 to vector<10000x128xf32>
    %min3A_30 = arith.minimumf %dot_general3A_26, %min3A_29 : vector<10000x128xf32>
    %exp3A = math.exp %min3A_30 : vector<10000x128xf32>
    %sub3A = arith.constant 1.000000e+00 : f32
    %sub3A_31 = vector.broadcast %sub3A : f32 to vector<10000x128xf32>
    %sub3A_32 = arith.subf %exp3A, %sub3A_31 : vector<10000x128xf32>
    %select_n3A = arith.select %gt3A_28, %dot_general3A_26, %sub3A_32 : vector<10000x128xi1>, vector<10000x128xf32>
    %reduce_sum3A = arith.constant dense<0.000000e+00> : vector<128xf32>
    %reduce_sum3A_33 = vector.multi_reduction <add>, %select_n3A, %reduce_sum3A [0] : vector<10000x128xf32> to vector<128xf32>
    %broadcast_in_dim3A = vector.shape_cast %reduce_sum3A_33 : vector<128xf32> to vector<1x128xf32>
    %div3A_34 = arith.constant 1.000000e+04 : f32
    %div3A_35 = vector.broadcast %div3A_34 : f32 to vector<1x128xf32>
    %div3A_36 = arith.divf %broadcast_in_dim3A, %div3A_35 : vector<1x128xf32>
    %sub3A_37 = vector.broadcast %div3A_36 : vector<1x128xf32> to vector<10000x128xf32>
    %sub3A_38 = arith.subf %select_n3A, %sub3A_37 : vector<10000x128xf32>
    %mul3A = arith.mulf %sub3A_38, %sub3A_38 : vector<10000x128xf32>
    %reduce_sum3A_39 = arith.constant dense<0.000000e+00> : vector<128xf32>
    %reduce_sum3A_40 = vector.multi_reduction <add>, %mul3A, %reduce_sum3A_39 [0] : vector<10000x128xf32> to vector<128xf32>
    %broadcast_in_dim3A_41 = vector.shape_cast %reduce_sum3A_40 : vector<128xf32> to vector<1x128xf32>
    %div3A_42 = arith.constant 1.000000e+04 : f32
    %div3A_43 = vector.broadcast %div3A_42 : f32 to vector<1x128xf32>
    %div3A_44 = arith.divf %broadcast_in_dim3A_41, %div3A_43 : vector<1x128xf32>
    %get3A_45 = arith.constant 0 : index
    %get3A_46 = arith.constant 0 : index
    %get3A_47 = vector.load %arg3[%get3A_45, %get3A_46] : memref<1x128xf32, #tpu.memory_space<vmem>>, vector<1x128xf32>
    %add3A_48 = arith.constant 9.99999974E-6 : f32
    %add3A_49 = vector.broadcast %add3A_48 : f32 to vector<1x128xf32>
    %add3A_50 = arith.addf %div3A_44, %add3A_49 : vector<1x128xf32>
    %rsqrt3A = math.rsqrt %add3A_50 : vector<1x128xf32>
    %mul3A_51 = vector.broadcast %rsqrt3A : vector<1x128xf32> to vector<10000x128xf32>
    %mul3A_52 = arith.mulf %sub3A_38, %mul3A_51 : vector<10000x128xf32>
    %mul3A_53 = vector.broadcast %get3A_47 : vector<1x128xf32> to vector<10000x128xf32>
    %mul3A_54 = arith.mulf %mul3A_53, %mul3A_52 : vector<10000x128xf32>
    %get3A_55 = arith.constant 0 : index
    %get3A_56 = arith.constant 0 : index
    %get3A_57 = vector.load %arg4[%get3A_55, %get3A_56] : memref<1x128xf32, #tpu.memory_space<vmem>>, vector<1x128xf32>
    %add3A_58 = vector.broadcast %get3A_57 : vector<1x128xf32> to vector<10000x128xf32>
    %add3A_59 = arith.addf %mul3A_54, %add3A_58 : vector<10000x128xf32>
    %swap3A = arith.constant 0 : index
    %swap3A_60 = arith.constant 0 : index
    %swap3A_61 = vector.load %arg5[%swap3A, %swap3A_60] : memref<10000x128xf32, #tpu.memory_space<vmem>>, vector<10000x128xf32>
    tpu.vector_store %arg5[%swap3A, %swap3A_60], %add3A_59 {strides = array<i32>} : memref<10000x128xf32, #tpu.memory_space<vmem>>, vector<10000x128xf32>,
    return
  }
}

</mosaic_0001>

<sc_bundles>
// kernel: kernel.5.cloned.1.call-start
scs
__scs_entry_jumppad:
0x0: {  	(pc) =	sbr.rel $0x88, $3  }
0x1: {  	(tag) =	ssettag $0x0;
	lr =	simm.s32 $0x1  }
0x2: {  	[smem:$0x3F9C] =	sst lr;
	_ =	strace $0xD0000000  }
0x3: {  	_ = 	snop  }
0x4: {  	_ = 	snop  }
0x5: {  	_ = 	snop  }
0x6: {  	_ = 	snop  }
0x7: {  	_ = 	snop  }
__scs_overlays_trampoline_lowered:
0x8: {  	[smem:$0x3FAB] =	sst s0  }
0x9: {  	[smem:$0x3FAC] =	sst s1  }
0xa: {  	[smem:$0x3FAD] =	sst s2  }
0xb: {  	[smem:$0x3FAE] =	sst s3  }
0xc: {  	[smem:$0x3FAF] =	sst s4  }
0xd: {  	[smem:$0x3FB0] =	sst s5  }
0xe: {  	[smem:$0x3FB1] =	sst s6  }
0xf: {  	[smem:$0x3FB2] =	sst s7  }
0x10: {  	[smem:$0x3FB3] =	sst s8  }
0x11: {  	[smem:$0x3FB4] =	sst s9;
	s0 =	simm.s32 @!p0 $0x0  }
0x12: {  	s1 =	sld [smem:$0x3F9A];
	s0 =	simm.s32 @p0 $0x1  }
0x13: {  	[smem:$0x3FB5] =	sst s0;
	s0 =	simm.s32 @!p1 $0x0  }
0x14: {  	s2 =	sld [smem:$0x3F99];
	s0 =	simm.s32 @p1 $0x1  }
0x15: {  	[smem:$0x3FB6] =	sst s0;
	s0 =	simm.s32 @!p2 $0x0  }
0x16: {  	s3 =	sld [smem:$0x3FDB];
	s0 =	simm.s32 @p2 $0x1  }
0x17: {  	s4 =	simm.s32 $0x1BF5;
	[smem:$0x3FB8] =	sst s0  }
0x18: {  	s0 =	sld [smem:$0x3F9B];
	_ =	swait.ge [sflag:s4], $0x0  }
0x19: {  	s7 =	sld [smem:$0x3F9C]  }
0x1a: {  	s8 =	sadd.s32 $0xFFFFE003, lr  }
0x1b: {  	s9 =	sadd.s32 $0xFFFFFEF7, lr;
	s5 =	simm.s32 $0xFFFFFFFF;
	p2 =	slt.u32 s8, $0xFFFFF086  }
0x1c: {  	p1 =	slt.u32 s9, $0xF7A;
	s5 =	simm.s32 @!p2 $0x0  }
0x1d: {  	s5 =	simm.s32 @p1 $0x1;
	p0 =	seq.s32 s7, s2  }
0x1e: {  	s7 =	smul.u32 @!p0 $0xF7A, s2;
	p2 =	seq.s32 @!p0 s5, $0x0  }
0x1f: {  	s9 =	smul.u32 $0xF7A, s1;
	s8 =	simm.s32 @!p0 $0x1BF5;
	p2 =	por !p2, p0  }
0x20: {  	[sflag:s8] =	ssyncset.s32 @!p0 $0xFFFFF086;
	s6 =	sadd.s32 @!p0 s3, s7;
	s7 =	simm.s32 @!p0 $0x108  }
0x21: {  	s3 =	sadd.s32 s3, s9;
	s6 =	sadd.s32 @!p0 $0x88, s6;
	s7 =	simm.s32 @p2 $0x1082  }
0x22: {  	[simem:s7], [sflag:s8] =	dma.local @!p0 [hbm:s6], $0xF7A  }
0x23: {  	s9 =	sor.u32 $0xD0000000, s2;
	s6 =	simm.s32 $0x108;
	_ =	swait.ge @!p0 [sflag:s8], $0x0  }
0x24: {  	s3 =	sadd.s32 $0x88, s3;
	s6 =	simm.s32 @!p1 $0x1082;
	[sflag:s4] =	ssyncset.s32 $0xFFFFF086  }
0x25: {  	[simem:s6], [sflag:s4] =	dma.local [hbm:s3], $0xF7A  }
0x26: {  	[smem:$0x3F9C] =	sst s1;
	(tag) =	ssettag s2;
	_ =	strace s9  }
0x27: {  	s1 =	sld [smem:$0x3FAC]  }
0x28: {  	s2 =	sld [smem:$0x3FAD]  }
0x29: {  	s4 =	sld [smem:$0x3FAF]  }
0x2a: {  	p0 =	seq.s32 s5, $0x0;
	s5 =	sld [smem:$0x3FB0]  }
0x2b: {  	s6 =	sld [smem:$0x3FB1]  }
0x2c: {  	s7 =	sld [smem:$0x3FB2]  }
0x2d: {  	s3 =	simm.s32 $0x108;
	s8 =	sld [smem:$0x3FB3]  }
0x2e: {  	s3 =	simm.s32 @!p0 $0x1082;
	s9 =	sld [smem:$0x3FB4]  }
0x2f: {  	lr =	sadd.s32 s0, s3;
	s0 =	sld [smem:$0x3FAB]  }
0x30: {  	s3 =	sld [smem:$0x3FAE]  }
0x31: {  	[smem:$0x3FB7] =	sst s10  }
0x32: {  	s10 =	sld [smem:$0x3FB5];
	_ =	sdelay $0x3  }
0x33: {  	p0 =	seq.s32 s10, $0x1;
	s10 =	sld [smem:$0x3FB7];
	_ =	sdelay $0x3  }
0x34: {  	[smem:$0x3FB7] =	sst s10  }
0x35: {  	s10 =	sld [smem:$0x3FB6];
	_ =	sdelay $0x3  }
0x36: {  	p1 =	seq.s32 s10, $0x1;
	s10 =	sld [smem:$0x3FB7];
	_ =	sdelay $0x3  }
0x37: {  	[smem:$0x3FB7] =	sst s10  }
0x38: {  	s10 =	sld [smem:$0x3FB8]  }
0x39: {  	_ = 	snop;
	(pc) =	sbr.ind lr, $3  }
0x3a: {  	_ = 	snop  }
0x3b: {  	_ = 	snop  }
0x3c: {  	p2 =	seq.s32 s10, $0x1;
	s10 =	sld [smem:$0x3FB7]  }
0x3d: {  	_ =	shalt  }
0x3e: {  	_ =	shalt  }
0x3f: {  	_ =	shalt  }
0x40: {  	_ =	shalt  }
0x41: {  	_ =	shalt  }
0x42: {  	_ =	shalt  }
0x43: {  	_ =	shalt  }
0x44: {  	_ =	shalt  }
0x45: {  	_ =	shalt  }
0x46: {  	_ =	shalt  }
0x47: {  	_ =	shalt  }
0x48: {  	_ =	shalt  }
0x49: {  	_ =	shalt  }
0x4a: {  	_ =	shalt  }
0x4b: {  	_ =	shalt  }
0x4c: {  	_ =	shalt  }
0x4d: {  	_ =	shalt  }
0x4e: {  	_ =	shalt  }
0x4f: {  	_ =	shalt  }
0x50: {  	_ =	shalt  }
0x51: {  	_ =	shalt  }
0x52: {  	_ =	shalt  }
0x53: {  	_ =	shalt  }
0x54: {  	_ =	shalt  }
0x55: {  	_ =	shalt  }
0x56: {  	_ =	shalt  }
0x57: {  	_ =	shalt  }
0x58: {  	_ =	shalt  }
0x59: {  	_ =	shalt  }
0x5a: {  	_ =	shalt  }
0x5b: {  	_ =	shalt  }
0x5c: {  	_ =	shalt  }
0x5d: {  	_ =	shalt  }
0x5e: {  	_ =	shalt  }
0x5f: {  	_ =	shalt  }
0x60: {  	_ =	shalt  }
0x61: {  	_ =	shalt  }
0x62: {  	_ =	shalt  }
0x63: {  	_ =	shalt  }
0x64: {  	_ =	shalt  }
0x65: {  	_ =	shalt  }
0x66: {  	_ =	shalt  }
0x67: {  	_ =	shalt  }
0x68: {  	_ =	shalt  }
0x69: {  	_ =	shalt  }
0x6a: {  	_ =	shalt  }
0x6b: {  	_ =	shalt  }
0x6c: {  	_ =	shalt  }
0x6d: {  	_ =	shalt  }
0x6e: {  	_ =	shalt  }
0x6f: {  	_ =	shalt  }
0x70: {  	_ =	shalt  }
0x71: {  	_ =	shalt  }
0x72: {  	_ =	shalt  }
0x73: {  	_ =	shalt  }
0x74: {  	_ =	shalt  }
0x75: {  	_ =	shalt  }
0x76: {  	_ =	shalt  }
0x77: {  	_ =	shalt  }
0x78: {  	_ =	shalt  }
0x79: {  	_ =	shalt  }
0x7a: {  	_ =	shalt  }
0x7b: {  	_ =	shalt  }
0x7c: {  	_ =	shalt  }
0x7d: {  	_ =	shalt  }
0x7e: {  	_ =	shalt  }
0x7f: {  	_ =	shalt  }
0x80: {  	_ =	shalt  }
0x81: {  	_ =	shalt  }
0x82: {  	_ =	shalt  }
0x83: {  	_ =	shalt  }
0x84: {  	_ =	shalt  }
0x85: {  	_ =	shalt  }
0x86: {  	_ =	shalt  }
0x87: {  	_ =	shalt  }
.Lfunc_end0:
.L_simem_size_0:
called_computation_lowered:
.L_overlay_start_0:
0x88: {  	s2 =	sld [smem:$0x3FD9]  }
0x89: {  	s3 =	sld [smem:$0x3FFE];
	_ =	sdelay $0x1  }
0x8a: {  	s1 =	srdreg.scid  }
0x8b: {  	s0 =	sand.u32 $0x1, s1  }
0x8c: {  	s17 =	sshll.u32 s0, $0xA;
	s2 =	sadd.s32 s3, s2  }
0x8d: {  	s2 =	sadd.s32 s2, s17  }
0x8e: {  	[smem:$0x3FC3] =	sst s2  }
0x8f: {  	_ = 	snop  }
0x90: {  	s18 =	sld [smem:$0x3FC9]  }
0x91: {  	s4 =	sld [smem:$0x3FD0];
	(tm) =	ssettm $0x1  }
0x92: {  	s19 =	sld [smem:$0x3FFB];
	_ =	sdelay $0x3  }
0x93: {  	_ =	strace s19  }
0x94: {  	s2 =	sld [smem:$0x3FFC];
	_ =	sdelay $0x3  }
0x95: {  	_ =	strace s2  }
0x96: {  	s2 =	sld [smem:$0x3FFD];
	_ =	sdelay $0x3  }
0x97: {  	_ =	strace s2  }
0x98: {  	_ =	strace $0x8FFFFFFF  }
0x99: {  	s20 =	sld [smem:$0x3FDB];
	_ =	sdelay $0x1  }
0x9a: {  	s5 =	simm.s32 $_scs_section_size  }
0x9b: {  	s6 =	simm.s32 $_size__tile_overlayer_lowered;
	s7 =	simm.s32 $_tile_overlayer_lowered  }
0x9c: {  	s8 =	simm.s32 $0x1BFF;
	s21 =	sshll.u32 s7, $0x1;
	s5 =	sadd.s32 s5, s20  }
0x9d: {  	s22 =	simm.s32 $0x0;
	s6 =	sshll.u32 s6, $0x1;
	s7 =	sadd.s32 s21, s5  }
0x9e: {  	[timem:s22], [sflag:s8] =	dma.local [hbm:s7], s6  }
0x9f: {  	_ =	swait.ge [sflag:s8], s6  }
0xa0: {  	s6 =	ssub.s32 $0x0, s6;
	[sflag:s8] =	ssyncset.done $0x0  }
0xa1: {  	[sflag:s8] =	ssyncadd.s32 s6;
	_ =	sdelay $0x1  }
0xa2: {  	s23 =	simm.s32 $0x1B8B  }
0xa3: {  	_ =	swait.ge [sflag:s23], $0x1  }
0xa4: {  	[sflag:s23] =	ssyncset.done $0x0  }
0xa5: {  	[sflag:s23] =	ssyncadd.s32 $0xFFFFFFFF  }
0xa6: {  	s6 =	sld [smem:$0x0]  }
0xa7: {  	s7 =	sand.u32 $0xFFFFFFFE, s1  }
0xa8: {  	p0 =	sne.s32 s1, s7  }
0xa9: {  	s7 =	sshll.u32 @p0 s7, $0xE  }
0xaa: {  	s7 =	sadd.s32 @p0 $0x11B8D, s7;
	s8 =	sshll.u32 @p0 s6, $0x11  }
0xab: {  	s7 =	sor.u32 @p0 s8, s7  }
0xac: {  	[sflag:s7] =	ssyncadd.remote.s32 @p0 $0x1;
	_ =	sdelay $0x1  }
0xad: {  	s7 =	simm.s32 @p0 $0x1B8D  }
0xae: {  	_ =	swait.eq @p0 [sflag:s7], $0x1  }
0xaf: {  	[sflag:s7] =	ssyncadd.s32 @p0 $0xFFFFFFFF  }
0xb0: {  	s8 =	sshll.u32 @!p0 s1, $0xE  }
0xb1: {  	s8 =	sor.u32 @!p0 $0x4000, s8;
	s7 =	simm.s32 @!p0 $0x1B8D  }
0xb2: {  	s6 =	sshll.u32 @!p0 s6, $0x11;
	s8 =	sadd.s32 @!p0 $0x11B8D, s8;
	_ =	swait.eq @!p0 [sflag:s7], $0x1  }
0xb3: {  	s6 =	sor.u32 @!p0 s6, s8;
	[sflag:s7] =	ssyncadd.s32 @!p0 $0xFFFFFFFF  }
0xb4: {  	s25 =	simm.s32 $0x1B8E;
	s24 =	sld [smem:$0x3FFE];
	[sflag:s6] =	ssyncadd.remote.s32 @!p0 $0x1  }
0xb5: {  	s26 =	simm.s32 $execute0_lowered;
	[smem:$0x3FD2] =	sst s25  }
0xb6: {  	s7 =	sshll.u32 s26, $0x1;
	_ =	strace $0x80000049;
	[dreg:$0x1] =	wrdreg $0xFFFFFFFF  }
0xb7: {  	s28 =	simm.s32 $_size_execute0_lowered;
	s5 =	sadd.s32 s5, s7;
	[dreg:$0x0] =	wrdreg $0x0  }
0xb8: {  	s7 =	sshll.u32 s28, $0x1;
	[dreg:$0x2] =	wrdreg s5  }
0xb9: {  	[dreg:$0x3] =	wrdreg s7  }
0xba: {  	[dreg:$0x4] =	wrdreg $0xC0  }
0xbb: {  	_ =	task [dreg:s22], $0x5FFFF  }
0xbc: {  	[dreg:$0x1] =	wrdreg $0xFFFFFFFF  }
0xbd: {  	[dreg:$0x0] =	wrdreg $0x60  }
0xbe: {  	[dreg:$0x2] =	wrdreg s18  }
0xbf: {  	[dreg:$0x3] =	wrdreg s4  }
0xc0: {  	[dreg:$0x4] =	wrdreg s24  }
0xc1: {  	[dreg:$0x5] =	wrdreg $0xB5400  }
0xc2: {  	[dreg:$0x6] =	wrdreg $0x9  }
0xc3: {  	_ =	task.clear_ibuf [dreg:s22], $0x7FFFF;
	_ =	strace $0x90000049  }
0xc4: {  	s29 =	simm.s32 $0x9;
	_ =	strace $0x8000004B  }
0xc5: {  	_ =	swait.ge [sflag:s29], $0x1  }
0xc6: {  	[sflag:s29] =	ssyncadd.s32 $0xFFFFFFFF  }
0xc7: {  	_ =	strace $0x9000004B  }
0xc8: {  	_ =	sfence  }
0xc9: {  	s30 =	sld [smem:$0x0];
	_ =	sdelay $0x2  }
0xca: {  	s31 =	sshll.u32 s1, $0xD;
	s1 =	sshrl.u32 s1, $0x2  }
0xcb: {  	s4 =	sand.u32 $0x4000, s31;
	s1 =	sadd.s32 s1, s30  }
0xcc: {  	s0 =	sor.u32 s4, s0;
	s1 =	sshll.u32 s1, $0x11  }
0xcd: {  	s0 =	sor.u32 s1, s0  }
0xce: {  	s0 =	sadd.s32 $0x8F2B, s0  }
0xcf: {  	[sflag:s0] =	ssyncadd.remote.s32 $0x1  }
0xd0: {  	_ =	sfence.sel $0xFFFF  }
0xd1: {  	[dreg:$0x0] =	wrdreg $0xFFFFFFFF;
	(pc) =	sbr.abs _section_cstart, $3  }
0xd2: {  	[dreg:$0x1] =	wrdreg $0xFFFFFFFF  }
0xd3: {  	_ =	task.clear_ibuf [dreg:s22], $0x2FFFF;
	_ =	strace $0x9FFFFFFF  }
0xd4: {  	(tm) =	ssettm $0x7FFFFFFF  }
0xd5: {  	_ =	shalt  }
tec
execute0_lowered:
.L_overlay_start_1:
0x0: {  	(tag) =	ssettag $0x1  }
0x1: {  	s1 =	rddreg [dreg:$0x0]  }
0x2: {  	s12 =	rddreg [dreg:$0x1]  }
0x3: {  	s5 =	rddreg [dreg:$0x2]  }
0x4: {  	s3 =	rddreg [dreg:$0x3];
	s4 =	srdreg.scid  }
0x5: {  	s2 =	stileid.u32;
	s17 =	simm.s32 $0x3;
	s18 =	simm.s32 $0x28A0  }
0x6: {  	s19 =	simm.s32 $0x64;
	s20 =	simm.s32 $0x8340;
	s21 =	simm.s32 $0x1  }
0x7: {  	s22 =	simm.s32 $0x2;
	s23 =	simm.s32 $0x2838;
	s24 =	simm.s32 $0x5070  }
0x8: {  	s25 =	simm.s32 $0x50D8;
	s26 =	simm.s32 $0x0;
	s8 =	smul.u32 $0x13C00, s2  }
0x9: {  	s6 =	sand.u32 $0x1, s4;
	s7 =	sshll.u32 s2, $0x1;
	s29 =	smul.u32 $0x4F000, s2  }
0xa: {  	s4 =	simm.s32 $0x0;
	s7 =	sor.u32 s6, s7;
	s9 =	smul.u32 $0x13C000, s6  }
0xb: {  	[smem:$0x7FF] =	sst s4;
	s6 =	ssub.s32 $0x2, s6;
	s13 =	smul.u32 $0x514, s7  }
0xc: {  	_ =	strace $0x8000004A;
	s30 =	sshrl.u32 s6, $0x1;
	s31 =	sshrl.u32 s29, $0x2  }
0xd: {  	s28 =	sadd.s32 s8, s9;
	s16 =	ssub.s32 s6, s30;
	s11 =	sadd.s32 s31, s3  }
0xe: {  	s14 =	sadd.s32 s13, s5;
	s7 =	sshrl.u32 s28, $0x3;
	s6 =	sadd.s32 $0x3000, s11  }
0xf: {  	s9 =	sadd.s32 $0xC000, s11;
	s10 =	sadd.s32 $0xF000, s11;
	s12 =	sadd.s32 s12, s13  }
0x10: {  	s15 =	sadd.s32 s7, s5;
	s5 =	sadd.s32 s8, s3;
	s7 =	sadd.s32 $0x6000, s11  }
0x11: {  	s8 =	sadd.s32 $0x9000, s11;
	s11 =	sadd.s32 $0x12000, s11;
	s13 =	sadd.s32 $0x800, s14  }
0x12: {  	v0 =	vimm.f32 $0.0e+00;
	s14 =	sadd.s32 $0x14A00, s15;
	s15 =	smax.u32 s16, $0x1;
	s16 =	simm.s32 $0x5140  }
.LBB2_1:
0x13: {  	s29 =	sand.u32 $0xFFC0, s4  }
0x14: {  	s28 =	simm.s32 $0x40;
	s29 =	sshrl.u32 s29, $0x2  }
.LBB2_2:
0x15: {  	p0 =	sne.s32 s28, $0xBFC0;
	[tilespmem:s29+$0x5140] =	vst v0;
	s29 =	smov.u32 s28;
	s28 =	sadd.s32 $0x40, s28  }
.Ltmp0:
0x16: {  	(pc) =	sbr.rel @p0 .LBB2_2-.Ltmp0, $3  }
0x17: {  	_ =	sdelay $0x1  }
0x18: {  	s29 =	sand.u32 $0xFFC0, s29  }
0x19: {  	s29 =	sshrl.u32 s29, $0x2  }
0x1a: {  	[tilespmem:s29+$0x5140] =	vst v0  }
0x1b: {  	[spmem:s5] =	stream.linear.scatter [tilespmem:s16], [sflag:$0x3], $0x3000, $0x38;
	[tilespmem:$0x1F140] =	vst v63  }
0x1c: {  	_ =	swait.ge [sflag:s17], $0x3000  }
0x1d: {  	[sflag:s17] =	ssyncset.done $0x0  }
0x1e: {  	[sflag:s17] =	ssyncadd.s32 $0xFFFFD000  }
0x1f: {  	[spmem:s6] =	stream.linear.scatter [tilespmem:s16], [sflag:$0x3], $0x3000, $0x38;
	[tilespmem:$0x1F140] =	vst v63  }
0x20: {  	_ =	swait.ge [sflag:s17], $0x3000  }
0x21: {  	[sflag:s17] =	ssyncset.done $0x0  }
0x22: {  	[sflag:s17] =	ssyncadd.s32 $0xFFFFD000  }
0x23: {  	[spmem:s7] =	stream.linear.scatter [tilespmem:s16], [sflag:$0x3], $0x3000, $0x38;
	[tilespmem:$0x1F140] =	vst v63  }
0x24: {  	_ =	swait.ge [sflag:s17], $0x3000  }
0x25: {  	[sflag:s17] =	ssyncset.done $0x0  }
0x26: {  	[sflag:s17] =	ssyncadd.s32 $0xFFFFD000  }
0x27: {  	[spmem:s8] =	stream.linear.scatter [tilespmem:s16], [sflag:$0x3], $0x3000, $0x38;
	[tilespmem:$0x1F140] =	vst v63  }
0x28: {  	_ =	swait.ge [sflag:s17], $0x3000  }
0x29: {  	[sflag:s17] =	ssyncset.done $0x0  }
0x2a: {  	[sflag:s17] =	ssyncadd.s32 $0xFFFFD000  }
0x2b: {  	[spmem:s9] =	stream.linear.scatter [tilespmem:s16], [sflag:$0x3], $0x3000, $0x38;
	[tilespmem:$0x1F140] =	vst v63  }
0x2c: {  	_ =	swait.ge [sflag:s17], $0x3000  }
0x2d: {  	[sflag:s17] =	ssyncset.done $0x0  }
0x2e: {  	[sflag:s17] =	ssyncadd.s32 $0xFFFFD000  }
0x2f: {  	[spmem:s10] =	stream.linear.scatter [tilespmem:s16], [sflag:$0x3], $0x3000, $0x38;
	[tilespmem:$0x1F140] =	vst v63  }
0x30: {  	_ =	swait.ge [sflag:s17], $0x3000  }
0x31: {  	[sflag:s17] =	ssyncset.done $0x0  }
0x32: {  	[sflag:s17] =	ssyncadd.s32 $0xFFFFD000  }
0x33: {  	[spmem:s11] =	stream.linear.scatter [tilespmem:s16], [sflag:$0x3], $0x1C00, $0x38;
	[tilespmem:$0x1F140] =	vst v63  }
0x34: {  	_ =	swait.ge [sflag:s17], $0x1C00  }
0x35: {  	[sflag:s17] =	ssyncset.done $0x0  }
0x36: {  	s28 =	simm.s32 $0x0;
	[sflag:s17] =	ssyncadd.s32 $0xFFFFE400  }
0x37: {  	[tilespmem:s28], [sflag:$0x3] =	stream.linear.gather [hbm4b:s12+s28], $0x28A0, $0x38;
	[tilespmem:$0x1F140] =	vst v63  }
0x38: {  	_ =	swait.ge [sflag:s17], $0x28A0  }
0x39: {  	[sflag:s17] =	ssyncset.done $0x0  }
0x3a: {  	[sflag:s17] =	ssyncadd.s32 $0xFFFFD760  }
0x3b: {  	[tilespmem:s18], [sflag:$0x3] =	stream.linear.gather [hbm4b:s13+s28], $0x28A0, $0x38;
	[tilespmem:$0x1F140] =	vst v63  }
0x3c: {  	_ =	swait.ge [sflag:s17], $0x28A0  }
0x3d: {  	[sflag:s17] =	ssyncset.done $0x0  }
0x3e: {  	[sflag:s17] =	ssyncadd.s32 $0xFFFFD760  }
0x3f: {  	[bflag:$0x0] =	sbarrier.arrive $0xFFFF  }
0x40: {  	[tilespmem:s16], [sflag:$0x1] =	stream.indirect.gather [hbm4b:s1+s19], $0x80, s28, s19, $0xb8;
	[tilespmem:$0x1F140] =	vst v63  }
0x41: {  	s28 =	simm.s32 $0x68  }
0x42: {  	[tilespmem:s20], [sflag:$0x2] =	stream.indirect.gather [hbm4b:s1+s19], $0x80, s28, s19, $0xb8;
	[tilespmem:$0x1F140] =	vst v63  }
0x43: {  	_ =	swait.ge [sflag:s21], $0x3200  }
0x44: {  	[sflag:s21] =	ssyncset.done $0x0  }
0x45: {  	s28 =	simm.s32 $0x28A0;
	[sflag:s21] =	ssyncadd.s32 $0xFFFFCE00  }
0x46: {  	[spmem:s3] =	stream.indirect.scatter.add.f32 [tilespmem:s16], [sflag:$0x3], $0x80, s28, s19, $0xb8;
	[tilespmem:$0x1F140] =	vst v63  }
0x47: {  	_ =	swait.ge [sflag:s17], $0x3200  }
0x48: {  	[sflag:s17] =	ssyncset.done $0x0  }
0x49: {  	s28 =	simm.s32 $0xD0;
	[sflag:s17] =	ssyncadd.s32 $0xFFFFCE00  }
0x4a: {  	[tilespmem:s16], [sflag:$0x1] =	stream.indirect.gather [hbm4b:s1+s19], $0x80, s28, s19, $0xb8;
	[tilespmem:$0x1F140] =	vst v63  }
0x4b: {  	_ =	swait.ge [sflag:s22], $0x3200  }
0x4c: {  	[sflag:s22] =	ssyncset.done $0x0  }
0x4d: {  	s28 =	simm.s32 $0x2908;
	[sflag:s22] =	ssyncadd.s32 $0xFFFFCE00  }
0x4e: {  	[spmem:s3] =	stream.indirect.scatter.add.f32 [tilespmem:s20], [sflag:$0x3], $0x80, s28, s19, $0xb8;
	[tilespmem:$0x1F140] =	vst v63  }
0x4f: {  	_ =	swait.ge [sflag:s17], $0x3200  }
0x50: {  	s29 =	simm.s32 $0x680;
	s28 =	simm.s32 $0xD0;
	[sflag:s17] =	ssyncset.done $0x0  }
.LBB2_4:
0x51: {  	s30 =	sadd.s32 $0x68, s28  }
0x52: {  	[sflag:s17] =	ssyncadd.s32 $0xFFFFCE00;
	s31 =	smov.u32 s29;
	s0 =	sadd.s32 $0x340, s29  }
0x53: {  	[tilespmem:s20], [sflag:$0x2] =	stream.indirect.gather [hbm4b:s1+s19], $0x80, s30, s19, $0xb8;
	[tilespmem:$0x1F140] =	vst v63  }
0x54: {  	p0 =	sne.s32 s29, $0x9C00;
	_ =	swait.ge [sflag:s21], $0x3200  }
0x55: {  	[sflag:s21] =	ssyncset.done $0x0  }
0x56: {  	s29 =	sadd.s32 $0x28A0, s28;
	[sflag:s21] =	ssyncadd.s32 $0xFFFFCE00  }
0x57: {  	[spmem:s3] =	stream.indirect.scatter.add.f32 [tilespmem:s16], [sflag:$0x3], $0x80, s29, s19, $0xb8;
	[tilespmem:$0x1F140] =	vst v63  }
0x58: {  	_ =	swait.ge [sflag:s17], $0x3200  }
0x59: {  	[sflag:s17] =	ssyncset.done $0x0  }
0x5a: {  	s29 =	sadd.s32 $0xD0, s28;
	[sflag:s17] =	ssyncadd.s32 $0xFFFFCE00  }
0x5b: {  	[tilespmem:s16], [sflag:$0x1] =	stream.indirect.gather [hbm4b:s1+s19], $0x80, s29, s19, $0xb8;
	[tilespmem:$0x1F140] =	vst v63  }
0x5c: {  	_ =	swait.ge [sflag:s22], $0x3200  }
.Ltmp1:
0x5d: {  	[sflag:s22] =	ssyncset.done $0x0;
	(pc) =	sbr.rel @p0 .LBB2_4-.Ltmp1, $4  }
0x5e: {  	s28 =	sadd.s32 $0x2908, s28;
	[sflag:s22] =	ssyncadd.s32 $0xFFFFCE00  }
0x5f: {  	[spmem:s3] =	stream.indirect.scatter.add.f32 [tilespmem:s20], [sflag:$0x3], $0x80, s28, s19, $0xb8;
	[tilespmem:$0x1F140] =	vst v63  }
0x60: {  	_ =	swait.ge [sflag:s17], $0x3200  }
0x61: {  	s29 =	smov.u32 s0;
	s28 =	sshra.s32 s31, $0x2;
	[sflag:s17] =	ssyncset.done $0x0  }
0x62: {  	s0 =	sadd.s32 $0x68, s28;
	[sflag:s17] =	ssyncadd.s32 $0xFFFFCE00  }
0x63: {  	[tilespmem:s20], [sflag:$0x2] =	stream.indirect.gather [hbm4b:s1+s19], $0x80, s0, s19, $0xb8;
	[tilespmem:$0x1F140] =	vst v63  }
0x64: {  	_ =	swait.ge [sflag:s21], $0x3200  }
0x65: {  	[sflag:s21] =	ssyncset.done $0x0  }
0x66: {  	s30 =	sadd.s32 $0x28A0, s28;
	[sflag:s21] =	ssyncadd.s32 $0xFFFFCE00  }
0x67: {  	[spmem:s3] =	stream.indirect.scatter.add.f32 [tilespmem:s16], [sflag:$0x3], $0x80, s30, s19, $0xb8;
	[tilespmem:$0x1F140] =	vst v63  }
0x68: {  	_ =	swait.ge [sflag:s17], $0x3200  }
0x69: {  	[sflag:s17] =	ssyncset.done $0x0  }
0x6a: {  	s31 =	sadd.s32 $0xD0, s28;
	[sflag:s17] =	ssyncadd.s32 $0xFFFFCE00  }
0x6b: {  	[tilespmem:s16], [sflag:$0x1] =	stream.indirect.gather [hbm4b:s1+s19], $0x80, s31, s19, $0xb8;
	[tilespmem:$0x1F140] =	vst v63  }
0x6c: {  	_ =	swait.ge [sflag:s22], $0x3200  }
0x6d: {  	[sflag:s22] =	ssyncset.done $0x0  }
0x6e: {  	s29 =	sadd.s32 $0x2908, s28;
	[sflag:s22] =	ssyncadd.s32 $0xFFFFCE00  }
0x6f: {  	[spmem:s3] =	stream.indirect.scatter.add.f32 [tilespmem:s20], [sflag:$0x3], $0x80, s29, s19, $0xb8;
	[tilespmem:$0x1F140] =	vst v63  }
0x70: {  	_ =	swait.ge [sflag:s17], $0x3200  }
0x71: {  	[sflag:s17] =	ssyncset.done $0x0  }
0x72: {  	[sflag:s17] =	ssyncadd.s32 $0xFFFFCE00  }
0x73: {  	[tilespmem:s20], [sflag:$0x2] =	stream.indirect.gather [hbm4b:s1+s19], $0x80, s23, s19, $0xb8;
	[tilespmem:$0x1F140] =	vst v63  }
0x74: {  	_ =	swait.ge [sflag:s21], $0x3200  }
0x75: {  	[sflag:s21] =	ssyncset.done $0x0  }
0x76: {  	[sflag:s21] =	ssyncadd.s32 $0xFFFFCE00  }
0x77: {  	[spmem:s3] =	stream.indirect.scatter.add.f32 [tilespmem:s16], [sflag:$0x3], $0x80, s24, s19, $0xb8;
	[tilespmem:$0x1F140] =	vst v63  }
0x78: {  	_ =	swait.ge [sflag:s17], $0x3200  }
0x79: {  	[sflag:s17] =	ssyncset.done $0x0  }
0x7a: {  	[sflag:s17] =	ssyncadd.s32 $0xFFFFCE00  }
0x7b: {  	_ =	swait.ge [sflag:s22], $0x3200  }
0x7c: {  	[sflag:s22] =	ssyncset.done $0x0  }
0x7d: {  	[sflag:s22] =	ssyncadd.s32 $0xFFFFCE00  }
0x7e: {  	[spmem:s3] =	stream.indirect.scatter.add.f32 [tilespmem:s20], [sflag:$0x3], $0x80, s25, s19, $0xb8;
	[tilespmem:$0x1F140] =	vst v63  }
0x7f: {  	_ =	swait.ge [sflag:s17], $0x3200  }
0x80: {  	s26 =	sadd.s32 $0x1, s26;
	s30 =	sshll.u32 s2, $0x6;
	[sflag:s17] =	ssyncset.done $0x0  }
0x81: {  	p0 =	sne.s32 s26, s15;
	s0 =	sor.u32 $0x1C03, s30;
	[sflag:s17] =	ssyncadd.s32 $0xFFFFCE00  }
.Ltmp2:
0x82: {  	s31 =	sshrl.u32 s5, $0x3;
	[bflag:$0x0] =	sbarrier.arrive $0xFFFF;
	(pc) =	sbr.rel @p0 .LBB2_1-.Ltmp2, $4  }
0x83: {  	[hbm:s14], [sflag:s0] =	dma.local [spmem:s31], $0x2780  }
0x84: {  	_ =	swait.ge [sflag:s17], $0x2780  }
0x85: {  	[sflag:s17] =	ssyncset.done $0x0  }
0x86: {  	[sflag:s17] =	ssyncadd.s32 $0xFFFFD880  }
0x87: {  	_ =	sfence.sel $0x180000  }
0x88: {  	[bflag:$0x0] =	sbarrier.arrive $0xFFFF  }
0x89: {  	_ =	strace $0x9000004A  }
0x8a: {  	[bflag:$0x2] =	sbarrier.arrive $0xFFFF  }
0x8b: {  	p0 =	sne.s32 s2, $0x0;
	s0 =	rddreg [dreg:$0x4]  }
0x8c: {  	s0 =	sadd.s32 @!p0 $0x100000, s0  }
0x8d: {  	[sflag:s0] =	ssyncadd.tile.s32 @!p0 $0x1;
	_ =	shalt  }
.Lfunc_end2:
_tile_overlayer_lowered:
.L_overlay_start_2:
0x8e: {  	(tag) =	ssettag $0x2  }
0x8f: {  	s0 =	rddreg [dreg:$0x0];
	s2 =	stileid.u32  }
0x90: {  	s1 =	rddreg [dreg:$0x1];
	p0 =	sne.s32 s2, $0x0  }
0x91: {  	s3 =	rddreg [dreg:$0x2];
	[bflag:$0x3] =	sbarrier.arrive $0xFFFF;
	s2 =	simm.s32 @!p0 $0x1C03  }
0x92: {  	[timem:s3], [sflag:s2] =	dma.local @!p0 [hbm:s0], s1  }
0x93: {  	s0 =	simm.s32 @!p0 $0x3  }
0x94: {  	_ =	swait.ge @!p0 [sflag:s0], s1  }
0x95: {  	s1 =	ssub.s32 @!p0 $0x0, s1;
	[sflag:s0] =	ssyncset.done @!p0 $0x0  }
0x96: {  	[sflag:s0] =	ssyncadd.s32 @!p0 s1  }
0x97: {  	[bflag:$0x3] =	sbarrier.arrive $0xFFFF  }
0x98: {  	_ =	shalt  }

// kernel: kernel.8.cloned.1.call-start
scs
__scs_entry_jumppad:
0x0: {  	(pc) =	sbr.rel $0x88, $3  }
0x1: {  	(tag) =	ssettag $0x0;
	lr =	simm.s32 $0x1  }
0x2: {  	[smem:$0x3F9C] =	sst lr;
	_ =	strace $0xD0000000  }
0x3: {  	_ = 	snop  }
0x4: {  	_ = 	snop  }
0x5: {  	_ = 	snop  }
0x6: {  	_ = 	snop  }
0x7: {  	_ = 	snop  }
__scs_overlays_trampoline_lowered:
0x8: {  	[smem:$0x3FAB] =	sst s0  }
0x9: {  	[smem:$0x3FAC] =	sst s1  }
0xa: {  	[smem:$0x3FAD] =	sst s2  }
0xb: {  	[smem:$0x3FAE] =	sst s3  }
0xc: {  	[smem:$0x3FAF] =	sst s4  }
0xd: {  	[smem:$0x3FB0] =	sst s5  }
0xe: {  	[smem:$0x3FB1] =	sst s6  }
0xf: {  	[smem:$0x3FB2] =	sst s7  }
0x10: {  	[smem:$0x3FB3] =	sst s8  }
0x11: {  	[smem:$0x3FB4] =	sst s9;
	s0 =	simm.s32 @!p0 $0x0  }
0x12: {  	s1 =	sld [smem:$0x3F9A];
	s0 =	simm.s32 @p0 $0x1  }
0x13: {  	[smem:$0x3FB5] =	sst s0;
	s0 =	simm.s32 @!p1 $0x0  }
0x14: {  	s2 =	sld [smem:$0x3F99];
	s0 =	simm.s32 @p1 $0x1  }
0x15: {  	[smem:$0x3FB6] =	sst s0;
	s0 =	simm.s32 @!p2 $0x0  }
0x16: {  	s3 =	sld [smem:$0x3FDB];
	s0 =	simm.s32 @p2 $0x1  }
0x17: {  	s4 =	simm.s32 $0x1BF5;
	[smem:$0x3FB8] =	sst s0  }
0x18: {  	s0 =	sld [smem:$0x3F9B];
	_ =	swait.ge [sflag:s4], $0x0  }
0x19: {  	s7 =	sld [smem:$0x3F9C]  }
0x1a: {  	s8 =	sadd.s32 $0xFFFFE003, lr  }
0x1b: {  	s9 =	sadd.s32 $0xFFFFFEF7, lr;
	s5 =	simm.s32 $0xFFFFFFFF;
	p2 =	slt.u32 s8, $0xFFFFF086  }
0x1c: {  	p1 =	slt.u32 s9, $0xF7A;
	s5 =	simm.s32 @!p2 $0x0  }
0x1d: {  	s5 =	simm.s32 @p1 $0x1;
	p0 =	seq.s32 s7, s2  }
0x1e: {  	s7 =	smul.u32 @!p0 $0xF7A, s2;
	p2 =	seq.s32 @!p0 s5, $0x0  }
0x1f: {  	s9 =	smul.u32 $0xF7A, s1;
	s8 =	simm.s32 @!p0 $0x1BF5;
	p2 =	por !p2, p0  }
0x20: {  	[sflag:s8] =	ssyncset.s32 @!p0 $0xFFFFF086;
	s6 =	sadd.s32 @!p0 s3, s7;
	s7 =	simm.s32 @!p0 $0x108  }
0x21: {  	s3 =	sadd.s32 s3, s9;
	s6 =	sadd.s32 @!p0 $0x88, s6;
	s7 =	simm.s32 @p2 $0x1082  }
0x22: {  	[simem:s7], [sflag:s8] =	dma.local @!p0 [hbm:s6], $0xF7A  }
0x23: {  	s9 =	sor.u32 $0xD0000000, s2;
	s6 =	simm.s32 $0x108;
	_ =	swait.ge @!p0 [sflag:s8], $0x0  }
0x24: {  	s3 =	sadd.s32 $0x88, s3;
	s6 =	simm.s32 @!p1 $0x1082;
	[sflag:s4] =	ssyncset.s32 $0xFFFFF086  }
0x25: {  	[simem:s6], [sflag:s4] =	dma.local [hbm:s3], $0xF7A  }
0x26: {  	[smem:$0x3F9C] =	sst s1;
	(tag) =	ssettag s2;
	_ =	strace s9  }
0x27: {  	s1 =	sld [smem:$0x3FAC]  }
0x28: {  	s2 =	sld [smem:$0x3FAD]  }
0x29: {  	s4 =	sld [smem:$0x3FAF]  }
0x2a: {  	p0 =	seq.s32 s5, $0x0;
	s5 =	sld [smem:$0x3FB0]  }
0x2b: {  	s6 =	sld [smem:$0x3FB1]  }
0x2c: {  	s7 =	sld [smem:$0x3FB2]  }
0x2d: {  	s3 =	simm.s32 $0x108;
	s8 =	sld [smem:$0x3FB3]  }
0x2e: {  	s3 =	simm.s32 @!p0 $0x1082;
	s9 =	sld [smem:$0x3FB4]  }
0x2f: {  	lr =	sadd.s32 s0, s3;
	s0 =	sld [smem:$0x3FAB]  }
0x30: {  	s3 =	sld [smem:$0x3FAE]  }
0x31: {  	[smem:$0x3FB7] =	sst s10  }
0x32: {  	s10 =	sld [smem:$0x3FB5];
	_ =	sdelay $0x3  }
0x33: {  	p0 =	seq.s32 s10, $0x1;
	s10 =	sld [smem:$0x3FB7];
	_ =	sdelay $0x3  }
0x34: {  	[smem:$0x3FB7] =	sst s10  }
0x35: {  	s10 =	sld [smem:$0x3FB6];
	_ =	sdelay $0x3  }
0x36: {  	p1 =	seq.s32 s10, $0x1;
	s10 =	sld [smem:$0x3FB7];
	_ =	sdelay $0x3  }
0x37: {  	[smem:$0x3FB7] =	sst s10  }
0x38: {  	s10 =	sld [smem:$0x3FB8]  }
0x39: {  	_ = 	snop;
	(pc) =	sbr.ind lr, $3  }
0x3a: {  	_ = 	snop  }
0x3b: {  	_ = 	snop  }
0x3c: {  	p2 =	seq.s32 s10, $0x1;
	s10 =	sld [smem:$0x3FB7]  }
0x3d: {  	_ =	shalt  }
0x3e: {  	_ =	shalt  }
0x3f: {  	_ =	shalt  }
0x40: {  	_ =	shalt  }
0x41: {  	_ =	shalt  }
0x42: {  	_ =	shalt  }
0x43: {  	_ =	shalt  }
0x44: {  	_ =	shalt  }
0x45: {  	_ =	shalt  }
0x46: {  	_ =	shalt  }
0x47: {  	_ =	shalt  }
0x48: {  	_ =	shalt  }
0x49: {  	_ =	shalt  }
0x4a: {  	_ =	shalt  }
0x4b: {  	_ =	shalt  }
0x4c: {  	_ =	shalt  }
0x4d: {  	_ =	shalt  }
0x4e: {  	_ =	shalt  }
0x4f: {  	_ =	shalt  }
0x50: {  	_ =	shalt  }
0x51: {  	_ =	shalt  }
0x52: {  	_ =	shalt  }
0x53: {  	_ =	shalt  }
0x54: {  	_ =	shalt  }
0x55: {  	_ =	shalt  }
0x56: {  	_ =	shalt  }
0x57: {  	_ =	shalt  }
0x58: {  	_ =	shalt  }
0x59: {  	_ =	shalt  }
0x5a: {  	_ =	shalt  }
0x5b: {  	_ =	shalt  }
0x5c: {  	_ =	shalt  }
0x5d: {  	_ =	shalt  }
0x5e: {  	_ =	shalt  }
0x5f: {  	_ =	shalt  }
0x60: {  	_ =	shalt  }
0x61: {  	_ =	shalt  }
0x62: {  	_ =	shalt  }
0x63: {  	_ =	shalt  }
0x64: {  	_ =	shalt  }
0x65: {  	_ =	shalt  }
0x66: {  	_ =	shalt  }
0x67: {  	_ =	shalt  }
0x68: {  	_ =	shalt  }
0x69: {  	_ =	shalt  }
0x6a: {  	_ =	shalt  }
0x6b: {  	_ =	shalt  }
0x6c: {  	_ =	shalt  }
0x6d: {  	_ =	shalt  }
0x6e: {  	_ =	shalt  }
0x6f: {  	_ =	shalt  }
0x70: {  	_ =	shalt  }
0x71: {  	_ =	shalt  }
0x72: {  	_ =	shalt  }
0x73: {  	_ =	shalt  }
0x74: {  	_ =	shalt  }
0x75: {  	_ =	shalt  }
0x76: {  	_ =	shalt  }
0x77: {  	_ =	shalt  }
0x78: {  	_ =	shalt  }
0x79: {  	_ =	shalt  }
0x7a: {  	_ =	shalt  }
0x7b: {  	_ =	shalt  }
0x7c: {  	_ =	shalt  }
0x7d: {  	_ =	shalt  }
0x7e: {  	_ =	shalt  }
0x7f: {  	_ =	shalt  }
0x80: {  	_ =	shalt  }
0x81: {  	_ =	shalt  }
0x82: {  	_ =	shalt  }
0x83: {  	_ =	shalt  }
0x84: {  	_ =	shalt  }
0x85: {  	_ =	shalt  }
0x86: {  	_ =	shalt  }
0x87: {  	_ =	shalt  }
.Lfunc_end0:
.L_simem_size_0:
called_computation.1_lowered:
.L_overlay_start_0:
0x88: {  	s2 =	sld [smem:$0x3FD9]  }
0x89: {  	s3 =	sld [smem:$0x3FFE];
	_ =	sdelay $0x1  }
0x8a: {  	s1 =	srdreg.scid  }
0x8b: {  	s0 =	sand.u32 $0x1, s1  }
0x8c: {  	s16 =	sshll.u32 s0, $0xA;
	s2 =	sadd.s32 s3, s2  }
0x8d: {  	s2 =	sadd.s32 s2, s16  }
0x8e: {  	[smem:$0x3FC3] =	sst s2  }
0x8f: {  	_ = 	snop  }
0x90: {  	(tm) =	ssettm $0x1  }
0x91: {  	s17 =	sld [smem:$0x3FFB];
	_ =	sdelay $0x3  }
0x92: {  	_ =	strace s17  }
0x93: {  	s2 =	sld [smem:$0x3FFC];
	_ =	sdelay $0x3  }
0x94: {  	_ =	strace s2  }
0x95: {  	s2 =	sld [smem:$0x3FFD];
	_ =	sdelay $0x3  }
0x96: {  	_ =	strace s2  }
0x97: {  	_ =	strace $0x8FFFFFFF  }
0x98: {  	s18 =	sld [smem:$0x3FDB];
	_ =	sdelay $0x1  }
0x99: {  	s19 =	simm.s32 $_scs_section_size  }
0x9a: {  	s4 =	simm.s32 $_size__tile_overlayer_lowered;
	s5 =	simm.s32 $_tile_overlayer_lowered  }
0x9b: {  	s22 =	simm.s32 $0x1BFF;
	s21 =	sshll.u32 s5, $0x1;
	s2 =	sadd.s32 s19, s18  }
0x9c: {  	s6 =	simm.s32 $0x0;
	s20 =	sshll.u32 s4, $0x1;
	s4 =	sadd.s32 s21, s2  }
0x9d: {  	[timem:s6], [sflag:s22] =	dma.local [hbm:s4], s20  }
0x9e: {  	_ =	swait.ge [sflag:s22], s20  }
0x9f: {  	s3 =	ssub.s32 $0x0, s20;
	[sflag:s22] =	ssyncset.done $0x0  }
0xa0: {  	[sflag:s22] =	ssyncadd.s32 s3;
	_ =	sdelay $0x1  }
0xa1: {  	s23 =	simm.s32 $0x1B8B  }
0xa2: {  	_ =	swait.ge [sflag:s23], $0x1  }
0xa3: {  	[sflag:s23] =	ssyncset.done $0x0  }
0xa4: {  	s25 =	simm.s32 $0x1B8E;
	s24 =	sld [smem:$0x3FFE];
	[sflag:s23] =	ssyncadd.s32 $0xFFFFFFFF  }
0xa5: {  	s26 =	simm.s32 $execute0_lowered;
	[smem:$0x3FD2] =	sst s25  }
0xa6: {  	s4 =	sshll.u32 s26, $0x1;
	_ =	strace $0x80000046;
	[dreg:$0x1] =	wrdreg $0xFFFFFFFF  }
0xa7: {  	s28 =	simm.s32 $_size_execute0_lowered;
	s2 =	sadd.s32 s2, s4;
	[dreg:$0x0] =	wrdreg $0x0  }
0xa8: {  	s4 =	sshll.u32 s28, $0x1;
	[dreg:$0x2] =	wrdreg s2  }
0xa9: {  	[dreg:$0x3] =	wrdreg s4  }
0xaa: {  	[dreg:$0x4] =	wrdreg $0xC0  }
0xab: {  	_ =	task [dreg:s6], $0x5FFFF  }
0xac: {  	[dreg:$0x1] =	wrdreg $0xFFFFFFFF  }
0xad: {  	[dreg:$0x0] =	wrdreg $0x60  }
0xae: {  	[dreg:$0x2] =	wrdreg s24  }
0xaf: {  	[dreg:$0x3] =	wrdreg $0x34E00  }
0xb0: {  	[dreg:$0x4] =	wrdreg $0xA  }
0xb1: {  	_ =	task.clear_ibuf [dreg:s6], $0x5FFFF;
	_ =	strace $0x90000046  }
0xb2: {  	s29 =	simm.s32 $0xA;
	_ =	strace $0x80000048  }
0xb3: {  	_ =	swait.ge [sflag:s29], $0x1  }
0xb4: {  	[sflag:s29] =	ssyncadd.s32 $0xFFFFFFFF  }
0xb5: {  	_ =	strace $0x90000048  }
0xb6: {  	_ =	sfence  }
0xb7: {  	s30 =	sld [smem:$0x0];
	_ =	sdelay $0x2  }
0xb8: {  	s31 =	sshll.u32 s1, $0xD;
	s1 =	sshrl.u32 s1, $0x2  }
0xb9: {  	s3 =	sand.u32 $0x4000, s31;
	s1 =	sadd.s32 s1, s30  }
0xba: {  	s0 =	sor.u32 s3, s0;
	s1 =	sshll.u32 s1, $0x11  }
0xbb: {  	s0 =	sor.u32 s1, s0  }
0xbc: {  	s0 =	sadd.s32 $0x8F2B, s0  }
0xbd: {  	[sflag:s0] =	ssyncadd.remote.s32 $0x1  }
0xbe: {  	_ =	sfence.sel $0xFFFF  }
0xbf: {  	[dreg:$0x0] =	wrdreg $0xFFFFFFFF;
	(pc) =	sbr.abs _section_cstart, $3  }
0xc0: {  	[dreg:$0x1] =	wrdreg $0xFFFFFFFF  }
0xc1: {  	_ =	task.clear_ibuf [dreg:s6], $0x2FFFF;
	_ =	strace $0x9FFFFFFF  }
0xc2: {  	(tm) =	ssettm $0x7FFFFFFF  }
0xc3: {  	_ =	shalt  }
tec
execute0_lowered:
.L_overlay_start_1:
0x0: {  	(tag) =	ssettag $0x1  }
0x1: {  	s4 =	rddreg [dreg:$0x0]  }
0x2: {  	s2 =	rddreg [dreg:$0x1]  }
0x3: {  	s0 =	rddreg [dreg:$0x2];
	s3 =	srdreg.scid  }
0x4: {  	s1 =	stileid.u32;
	s14 =	simm.s32 $0x2EE0;
	s15 =	simm.s32 $0x2  }
0x5: {  	s16 =	simm.s32 $0x28A0;
	s17 =	simm.s32 $0x1;
	s5 =	sand.u32 $0x1, s3  }
0x6: {  	s6 =	sshll.u32 s1, $0x1;
	s7 =	smul.u32 $0x2780, s1;
	s3 =	simm.s32 $0x0  }
0x7: {  	s9 =	smul.u32 $0x9E00, s1;
	s18 =	sshll.u32 s1, $0x6;
	s6 =	sor.u32 s5, s6  }
0x8: {  	s8 =	smul.u32 $0x27800, s5;
	[smem:$0x7FF] =	sst s3;
	s5 =	ssub.s32 $0x2, s5  }
0x9: {  	s18 =	sor.u32 $0x1C02, s18;
	s6 =	smul.u32 $0x514, s6;
	_ =	strace $0x80000047  }
0xa: {  	s30 =	sshrl.u32 s5, $0x1;
	s31 =	sshrl.u32 s9, $0x2;
	s8 =	sadd.s32 s7, s8  }
0xb: {  	s13 =	ssub.s32 s5, s30;
	s10 =	sadd.s32 s31, s2;
	s11 =	sadd.s32 s6, s4  }
0xc: {  	s29 =	sshrl.u32 s8, $0x3;
	s5 =	sadd.s32 $0x600, s10;
	s6 =	sadd.s32 $0xC00, s10  }
0xd: {  	s8 =	sadd.s32 $0x1800, s10;
	s9 =	sadd.s32 $0x1E00, s10;
	s13 =	smax.u32 s13, $0x1  }
0xe: {  	s12 =	sadd.s32 s29, s4;
	s4 =	sadd.s32 s7, s2;
	s7 =	sadd.s32 $0x1200, s10  }
0xf: {  	v0 =	vimm.f32 $1.000000000e+00;
	v1 =	vimm.f32 $0.0e+00;
	s10 =	sadd.s32 $0x2400, s10;
	s11 =	sadd.s32 $0x800, s11;
	s12 =	sadd.s32 $0xAC00, s12  }
.LBB2_1:
0x10: {  	s19 =	simm.s32 $0x0  }
.LBB2_2:
0x11: {  	p0 =	sne.s32 s19, $0x18C0  }
.Ltmp0:
0x12: {  	_ = 	snop;
	(pc) =	sbr.rel @p0 .LBB2_2-.Ltmp0, $3  }
0x13: {  	_ =	sdelay $0x1  }
0x14: {  	s20 =	sshra.s32 s19, $0x2  }
0x15: {  	s19 =	sadd.s32 $0x40, s19;
	[tilespmem:s20+$0x28A0] =	vst v0  }
0x16: {  	s19 =	simm.s32 $0x40;
	s20 =	simm.s32 $0x0  }
.LBB2_4:
0x17: {  	p0 =	sne.s32 s19, $0x17C0;
	[tilespmem:s20+$0x2EE0] =	vst v1;
	s20 =	smov.u32 s19;
	s19 =	sadd.s32 $0x40, s19  }
.Ltmp1:
0x18: {  	(pc) =	sbr.rel @p0 .LBB2_4-.Ltmp1, $2  }
0x19: {  	_ =	sdelay $0x2  }
0x1a: {  	s20 =	sshra.s32 s20, $0x2  }
0x1b: {  	[tilespmem:s20+$0x2EE0] =	vst v1  }
0x1c: {  	[spmem:s4] =	stream.linear.scatter [tilespmem:s14], [sflag:$0x2], $0x600, $0x38;
	[tilespmem:$0x5C60] =	vst v63  }
0x1d: {  	_ =	swait.ge [sflag:s15], $0x600  }
0x1e: {  	[sflag:s15] =	ssyncset.done $0x0  }
0x1f: {  	[sflag:s15] =	ssyncadd.s32 $0xFFFFFA00  }
0x20: {  	[spmem:s5] =	stream.linear.scatter [tilespmem:s14], [sflag:$0x2], $0x600, $0x38;
	[tilespmem:$0x5C60] =	vst v63  }
0x21: {  	_ =	swait.ge [sflag:s15], $0x600  }
0x22: {  	[sflag:s15] =	ssyncset.done $0x0  }
0x23: {  	[sflag:s15] =	ssyncadd.s32 $0xFFFFFA00  }
0x24: {  	[spmem:s6] =	stream.linear.scatter [tilespmem:s14], [sflag:$0x2], $0x600, $0x38;
	[tilespmem:$0x5C60] =	vst v63  }
0x25: {  	_ =	swait.ge [sflag:s15], $0x600  }
0x26: {  	[sflag:s15] =	ssyncset.done $0x0  }
0x27: {  	[sflag:s15] =	ssyncadd.s32 $0xFFFFFA00  }
0x28: {  	[spmem:s7] =	stream.linear.scatter [tilespmem:s14], [sflag:$0x2], $0x600, $0x38;
	[tilespmem:$0x5C60] =	vst v63  }
0x29: {  	_ =	swait.ge [sflag:s15], $0x600  }
0x2a: {  	[sflag:s15] =	ssyncset.done $0x0  }
0x2b: {  	[sflag:s15] =	ssyncadd.s32 $0xFFFFFA00  }
0x2c: {  	[spmem:s8] =	stream.linear.scatter [tilespmem:s14], [sflag:$0x2], $0x600, $0x38;
	[tilespmem:$0x5C60] =	vst v63  }
0x2d: {  	_ =	swait.ge [sflag:s15], $0x600  }
0x2e: {  	[sflag:s15] =	ssyncset.done $0x0  }
0x2f: {  	[sflag:s15] =	ssyncadd.s32 $0xFFFFFA00  }
0x30: {  	[spmem:s9] =	stream.linear.scatter [tilespmem:s14], [sflag:$0x2], $0x600, $0x38;
	[tilespmem:$0x5C60] =	vst v63  }
0x31: {  	_ =	swait.ge [sflag:s15], $0x600  }
0x32: {  	[sflag:s15] =	ssyncset.done $0x0  }
0x33: {  	[sflag:s15] =	ssyncadd.s32 $0xFFFFFA00  }
0x34: {  	[spmem:s10] =	stream.linear.scatter [tilespmem:s14], [sflag:$0x2], $0x380, $0x38;
	[tilespmem:$0x5C60] =	vst v63  }
0x35: {  	_ =	swait.ge [sflag:s15], $0x380  }
0x36: {  	[sflag:s15] =	ssyncset.done $0x0  }
0x37: {  	s19 =	simm.s32 $0x0;
	[sflag:s15] =	ssyncadd.s32 $0xFFFFFC80  }
0x38: {  	[tilespmem:s19], [sflag:$0x2] =	stream.linear.gather [hbm4b:s11+s19], $0x28A0, $0x38;
	[tilespmem:$0x5C60] =	vst v63  }
0x39: {  	_ =	swait.ge [sflag:s15], $0x28A0  }
0x3a: {  	[sflag:s15] =	ssyncset.done $0x0  }
0x3b: {  	s21 =	simm.s32 $0x0;
	[sflag:s15] =	ssyncadd.s32 $0xFFFFD760  }
0x3c: {  	s20 =	simm.s32 $0x64;
	s19 =	simm.s32 $0x1A0;
	[bflag:$0x0] =	sbarrier.arrive $0xFFFF  }
.LBB2_6:
0x3d: {  	[spmem:s2] =	stream.indirect.scatter.add.f32 [tilespmem:s16], [sflag:$0x1], $0x10, s21, s20, $0xb8;
	[tilespmem:$0x5C60] =	vst v63  }
0x3e: {  	s21 =	smov.u32 s19;
	p0 =	sne.s32 s19, $0xA0E0  }
.Ltmp2:
0x3f: {  	s19 =	sadd.s32 $0x1A0, s19;
	(pc) =	sbr.rel @p0 .LBB2_6-.Ltmp2, $2  }
0x40: {  	_ =	sdelay $0x2  }
0x41: {  	s21 =	sshra.s32 s21, $0x2  }
0x42: {  	[spmem:s2] =	stream.indirect.scatter.add.f32 [tilespmem:s16], [sflag:$0x1], $0x10, s21, s20, $0xb8;
	[tilespmem:$0x5C60] =	vst v63  }
0x43: {  	_ =	swait.ge [sflag:s17], $0x640  }
0x44: {  	s19 =	simm.s32 $0x63;
	[sflag:s17] =	ssyncset.done $0x0  }
.LBB2_8:
0x45: {  	p0 =	sne.s32 s19, $0x1;
	s19 =	sadd.s32 $0xFFFFFFFF, s19;
	[sflag:s17] =	ssyncadd.s32 $0xFFFFF9C0  }
.Ltmp3:
0x46: {  	(pc) =	sbr.rel @p0 .LBB2_8-.Ltmp3, $3  }
0x47: {  	_ =	sdelay $0x1  }
0x48: {  	_ =	swait.ge [sflag:s17], $0x640  }
0x49: {  	[sflag:s17] =	ssyncset.done $0x0  }
0x4a: {  	s3 =	sadd.s32 $0x1, s3  }
0x4b: {  	[sflag:s17] =	ssyncadd.s32 $0xFFFFF9C0;
	p0 =	sne.s32 s3, s13  }
.Ltmp4:
0x4c: {  	s19 =	sshrl.u32 s4, $0x3;
	[bflag:$0x0] =	sbarrier.arrive $0xFFFF;
	(pc) =	sbr.rel @p0 .LBB2_1-.Ltmp4, $4  }
0x4d: {  	[hbm:s12], [sflag:s18] =	dma.local [spmem:s19], $0x4F0  }
0x4e: {  	_ =	swait.ge [sflag:s15], $0x4F0  }
0x4f: {  	[sflag:s15] =	ssyncset.done $0x0  }
0x50: {  	[sflag:s15] =	ssyncadd.s32 $0xFFFFFB10  }
0x51: {  	_ =	sfence.sel $0x180000  }
0x52: {  	[bflag:$0x0] =	sbarrier.arrive $0xFFFF  }
0x53: {  	p0 =	sne.s32 s1, $0x0;
	_ =	strace $0x90000047  }
0x54: {  	s0 =	sadd.s32 @!p0 $0x100000, s0;
	[bflag:$0x2] =	sbarrier.arrive $0xFFFF  }
0x55: {  	[sflag:s0] =	ssyncadd.tile.s32 @!p0 $0x1;
	_ =	shalt  }
.Lfunc_end2:
_tile_overlayer_lowered:
.L_overlay_start_2:
0x56: {  	(tag) =	ssettag $0x2  }
0x57: {  	s0 =	rddreg [dreg:$0x0];
	s2 =	stileid.u32  }
0x58: {  	s1 =	rddreg [dreg:$0x1];
	p0 =	sne.s32 s2, $0x0  }
0x59: {  	s3 =	rddreg [dreg:$0x2];
	[bflag:$0x3] =	sbarrier.arrive $0xFFFF;
	s2 =	simm.s32 @!p0 $0x1C02  }
0x5a: {  	[timem:s3], [sflag:s2] =	dma.local @!p0 [hbm:s0], s1  }
0x5b: {  	s0 =	simm.s32 @!p0 $0x2  }
0x5c: {  	_ =	swait.ge @!p0 [sflag:s0], s1  }
0x5d: {  	s1 =	ssub.s32 @!p0 $0x0, s1;
	[sflag:s0] =	ssyncset.done @!p0 $0x0  }
0x5e: {  	[sflag:s0] =	ssyncadd.s32 @!p0 s1  }
0x5f: {  	[bflag:$0x3] =	sbarrier.arrive $0xFFFF  }
0x60: {  	_ =	shalt  }

</sc_bundles>
